<compile_context>
chip_gen: v7x
topology: tpu7x:2x2x1
jax: 0.10.2.dev20260603
libtpu: 0.0.44.dev20260713+nightly
codegen_flags: <defaults>
</compile_context>

<pallas_src>
import dataclasses
import functools

import jax
import jax.numpy as jnp
from jax import lax
from jax.experimental import pallas as pl
from jax.experimental.pallas import tpu as pltpu
from jax.experimental.pallas import tpu_sc as plsc

_SMEM11 = lambda: pl.BlockSpec((1, 1), lambda i: (0, 0),
                               memory_space=pltpu.MemorySpace.SMEM)

_N = 100000
_E = 3200000
_D = 128
_B = 64

_RB = 2048
_GA = 49
_NP = _RB * _GA
_PER_SC = _NP // 16
_RD = 2000
_GN = _N // _RD

_NW = 32
_C = 7168
_NIT = 14
_EW = _C * _NIT
_E2 = _EW * _NW



def _proj_body(x_ref, w_ref, b_ref, key_ref, val_ref, q_ref, kmax_ref):
    i = pl.program_id(0)
    y = jnp.dot(x_ref[...], w_ref[...], preferred_element_type=jnp.float32)
    y = y + b_ref[...]
    kcol = y[:, 0:1]
    key_ref[...] = kcol
    val_ref[...] = y[:, 1:2]
    q_ref[...] = y[:, 2:3]
    bm = jnp.max(jnp.abs(kcol))

    @pl.when(i == 0)
    def _():
        kmax_ref[0, 0] = bm

    @pl.when(i > 0)
    def _():
        kmax_ref[0, 0] = jnp.maximum(kmax_ref[0, 0], bm)


def _proj(x, wmat, brow):
    return pl.pallas_call(
        _proj_body,
        grid=(_GN,),
        in_specs=[
            pl.BlockSpec((_RD, _D), lambda i: (i, 0)),
            pl.BlockSpec((_D, _D), lambda i: (0, 0)),
            pl.BlockSpec((1, _D), lambda i: (0, 0)),
        ],
        out_specs=[
            pl.BlockSpec((_RD, 1), lambda i: (i, 0)),
            pl.BlockSpec((_RD, 1), lambda i: (i, 0)),
            pl.BlockSpec((_RD, 1), lambda i: (i, 0)),
            _SMEM11(),
        ],
        out_shape=[
            jax.ShapeDtypeStruct((_N, 1), jnp.float32),
            jax.ShapeDtypeStruct((_N, 1), jnp.float32),
            jax.ShapeDtypeStruct((_N, 1), jnp.float32),
            jax.ShapeDtypeStruct((1, 1), jnp.float32),
        ],
    )(x, wmat, brow)



def _sc_mesh():
    return plsc.VectorSubcoreMesh(core_axis_name="c", subcore_axis_name="s")


def _sc_params():
    cp = pltpu.CompilerParams()
    if "needs_layout_passes" in pltpu.CompilerParams.__dataclass_fields__:
        cp = dataclasses.replace(cp, needs_layout_passes=False)
    return cp


def _p1_body(src_hbm, dst_hbm, key_hbm, t16_hbm, z_hbm, out_hbm,
             srcb, dstb, kb, e1b, e2b, t16b, T1, T2):
    c = lax.axis_index("c")
    s = lax.axis_index("s")
    w = c * 16 + s
    pltpu.sync_copy(t16_hbm, t16b)
    rsl = pl.ds(s * _PER_SC, _PER_SC)
    pltpu.sync_copy(z_hbm, T1.at[rsl])
    pltpu.sync_copy(z_hbm, T2.at[rsl])
    plsc.subcore_barrier()
    tv = t16b[...]

    @pl.loop(0, _NIT)
    def _(it):
        base = pl.multiple_of(w * _EW + it * _C, 128)
        pltpu.sync_copy(src_hbm.at[pl.ds(base, _C)], srcb)
        pltpu.sync_copy(dst_hbm.at[pl.ds(base, _C)], dstb)
        pltpu.sync_copy(key_hbm.at[srcb], kb)

        @pl.loop(0, _C, step=16)
        def _(j):
            sl = pl.ds(j, 16)
            k16 = kb[sl] * tv
            e1b[sl] = jnp.exp(k16)
            e2b[sl] = jnp.exp(-k16)

        pltpu.sync_copy(e1b, T1.at[dstb], add=True)
        pltpu.sync_copy(e2b, T2.at[dstb], add=True)

    plsc.subcore_barrier()
    pltpu.sync_copy(T1.at[rsl], out_hbm.at[c, 0, rsl])
    pltpu.sync_copy(T2.at[rsl], out_hbm.at[c, 1, rsl])


def _p1(src, dst, key_flat, t16, zflat):
    kfn = pl.kernel(
        _p1_body,
        out_type=jax.ShapeDtypeStruct((2, 2, _NP), jnp.float32),
        mesh=_sc_mesh(),
        compiler_params=_sc_params(),
        scratch_types=[
            pltpu.VMEM((_C,), jnp.int32),
            pltpu.VMEM((_C,), jnp.int32),
            pltpu.VMEM((_C,), jnp.float32),
            pltpu.VMEM((_C,), jnp.float32),
            pltpu.VMEM((_C,), jnp.float32),
            pltpu.VMEM((16,), jnp.float32),
            pltpu.VMEM_SHARED((_NP,), jnp.float32),
            pltpu.VMEM_SHARED((_NP,), jnp.float32),
        ],
    )
    return kfn(src, dst, key_flat, t16, zflat)



def _stab_body(t1a_ref, t1b_ref, t2a_ref, t2b_ref, q_ref, invt_ref, m_ref):
    T1 = t1a_ref[...] + t1b_ref[...]
    T2 = t2a_ref[...] + t2b_ref[...]
    qv = q_ref[...]
    m = jnp.where(qv >= 0, qv * jnp.log(T1), -qv * jnp.log(T2))
    m = m * invt_ref[0, 0]
    m_ref[...] = jnp.where(T1 > 0, m, 0.0)


def _stab(t1a, t1b, t2a, t2b, qp, invt):
    blk = pl.BlockSpec((_RB, 1), lambda i: (i, 0))
    return pl.pallas_call(
        _stab_body,
        grid=(_GA,),
        in_specs=[blk, blk, blk, blk, blk, _SMEM11()],
        out_specs=pl.BlockSpec((_RB, 1), lambda i: (i, 0)),
        out_shape=jax.ShapeDtypeStruct((_NP, 1), jnp.float32),
    )(t1a, t1b, t2a, t2b, qp, invt)



def _p2_body(src_hbm, dst_hbm, key_hbm, val_hbm, q_hbm, m_hbm,
             z_hbm, out_hbm, srcb, dstb, kb, vb, qb, mb, e1b, e2b,
             S1, S2):
    c = lax.axis_index("c")
    s = lax.axis_index("s")
    w = c * 16 + s
    rsl = pl.ds(s * _PER_SC, _PER_SC)
    pltpu.sync_copy(z_hbm, S1.at[rsl])
    pltpu.sync_copy(z_hbm, S2.at[rsl])
    plsc.subcore_barrier()

    @pl.loop(0, _NIT)
    def _(it):
        base = pl.multiple_of(w * _EW + it * _C, 128)
        pltpu.sync_copy(src_hbm.at[pl.ds(base, _C)], srcb)
        pltpu.sync_copy(dst_hbm.at[pl.ds(base, _C)], dstb)
        pltpu.sync_copy(key_hbm.at[srcb], kb)
        pltpu.sync_copy(val_hbm.at[srcb], vb)
        pltpu.sync_copy(q_hbm.at[dstb], qb)
        pltpu.sync_copy(m_hbm.at[dstb], mb)

        @pl.loop(0, _C, step=16)
        def _(j):
            sl = pl.ds(j, 16)
            ex = jnp.exp(qb[sl] * kb[sl] - mb[sl])
            e1b[sl] = ex
            e2b[sl] = ex * vb[sl]

        pltpu.sync_copy(e1b, S1.at[dstb], add=True)
        pltpu.sync_copy(e2b, S2.at[dstb], add=True)

    plsc.subcore_barrier()
    pltpu.sync_copy(S1.at[rsl], out_hbm.at[c, 0, rsl])
    pltpu.sync_copy(S2.at[rsl], out_hbm.at[c, 1, rsl])


def _p2(src, dst, key_flat, val_flat, q_flat, m_flat, zflat):
    f32 = jnp.float32
    i32 = jnp.int32
    kfn = pl.kernel(
        _p2_body,
        out_type=jax.ShapeDtypeStruct((2, 2, _NP), jnp.float32),
        mesh=_sc_mesh(),
        compiler_params=_sc_params(),
        scratch_types=[
            pltpu.VMEM((_C,), i32), pltpu.VMEM((_C,), i32),
            pltpu.VMEM((_C,), f32), pltpu.VMEM((_C,), f32),
            pltpu.VMEM((_C,), f32), pltpu.VMEM((_C,), f32),
            pltpu.VMEM((_C,), f32), pltpu.VMEM((_C,), f32),
            pltpu.VMEM_SHARED((_NP,), f32),
            pltpu.VMEM_SHARED((_NP,), f32),
        ],
    )
    return kfn(src, dst, key_flat, val_flat, q_flat, m_flat, zflat)



def _score_body(s1a_ref, s1b_ref, s2a_ref, s2b_ref, aw_ref, ab_ref, sw_ref,
                cb_ref, score_ref, mmax_ref):
    i = pl.program_id(0)
    S1 = s1a_ref[...] + s1b_ref[...]
    S2 = s2a_ref[...] + s2b_ref[...]
    agg = S2 / (S1 + 1e-16)
    attn = jax.nn.gelu(agg) * aw_ref[0, 0] + ab_ref[0, 0]
    sc = attn * sw_ref[0, 0] + cb_ref[0, 0]
    rows = lax.broadcasted_iota(jnp.int32, (_RB, 1), 0) + i * _RB
    sc = jnp.where(rows < _N, sc, -1e30)
    score_ref[...] = sc
    bm = jnp.max(sc)

    @pl.when(i == 0)
    def _():
        mmax_ref[0, 0] = bm

    @pl.when(i > 0)
    def _():
        mmax_ref[0, 0] = jnp.maximum(mmax_ref[0, 0], bm)


def _score(s1a, s1b, s2a, s2b, aw, ab, sw, cb):
    blk = pl.BlockSpec((_RB, 1), lambda i: (i, 0))
    return pl.pallas_call(
        _score_body,
        grid=(_GA,),
        in_specs=[blk, blk, blk, blk, _SMEM11(), _SMEM11(), _SMEM11(),
                  _SMEM11()],
        out_specs=[pl.BlockSpec((_RB, 1), lambda i: (i, 0)),
                   _SMEM11()],
        out_shape=[jax.ShapeDtypeStruct((_NP, 1), jnp.float32),
                   jax.ShapeDtypeStruct((1, 1), jnp.float32)],
    )(s1a, s1b, s2a, s2b, aw, ab, sw, cb)



def _bsum_body(score_ref, batch_ref, mmax_ref, p_ref):
    i = pl.program_id(0)
    wv = jnp.exp(score_ref[...] - mmax_ref[0, 0])
    ids = lax.broadcasted_iota(jnp.int32, (_RB, 128), 1)
    oh = (batch_ref[...] == ids).astype(jnp.float32)
    contrib = lax.dot_general(wv, oh, (((0,), (0,)), ((), ())),
                              preferred_element_type=jnp.float32)

    @pl.when(i == 0)
    def _():
        p_ref[...] = contrib

    @pl.when(i > 0)
    def _():
        p_ref[...] = p_ref[...] + contrib


def _bsum(score, batchp, mmax):
    return pl.pallas_call(
        _bsum_body,
        grid=(_GA,),
        in_specs=[
            pl.BlockSpec((_RB, 1), lambda i: (i, 0)),
            pl.BlockSpec((_RB, 1), lambda i: (i, 0)),
            _SMEM11(),
        ],
        out_specs=pl.BlockSpec((1, 128), lambda i: (0, 0)),
        out_shape=jax.ShapeDtypeStruct((1, 128), jnp.float32),
    )(score, batchp, mmax)



def _pool_body(x_ref, score_ref, batch_ref, c_ref, num_ref, den_ref):
    i = pl.program_id(0)
    ids = lax.broadcasted_iota(jnp.int32, (_RD, 128), 1)
    oh = (batch_ref[...] == ids).astype(jnp.float32)
    crow = lax.dot_general(oh, c_ref[...], (((1,), (1,)), ((), ())),
                           preferred_element_type=jnp.float32)
    wv = jnp.exp(score_ref[...] - crow)
    ohw = oh * wv
    numc = lax.dot_general(ohw, x_ref[...], (((0,), (0,)), ((), ())),
                           preferred_element_type=jnp.float32)
    denc = jnp.sum(ohw, axis=0, keepdims=True)

    @pl.when(i == 0)
    def _():
        num_ref[...] = numc
        den_ref[...] = denc

    @pl.when(i > 0)
    def _():
        num_ref[...] = num_ref[...] + numc
        den_ref[...] = den_ref[...] + denc


def _pool(x, score, batch2d, c128):
    return pl.pallas_call(
        _pool_body,
        grid=(_GN,),
        in_specs=[
            pl.BlockSpec((_RD, _D), lambda i: (i, 0)),
            pl.BlockSpec((_RD, 1), lambda i: (i, 0)),
            pl.BlockSpec((_RD, 1), lambda i: (i, 0)),
            pl.BlockSpec((1, 128), lambda i: (0, 0)),
        ],
        out_specs=[pl.BlockSpec((128, 128), lambda i: (0, 0)),
                   pl.BlockSpec((1, 128), lambda i: (0, 0))],
        out_shape=[jax.ShapeDtypeStruct((128, 128), jnp.float32),
                   jax.ShapeDtypeStruct((1, 128), jnp.float32)],
    )(x, score, batch2d, c128)



def kernel(x, edge_index, batch, k_w, k_b, q_w, q_b, v_w, v_b,
           a_rel, m_rel, p_rel, a_w, a_b, w_pool, b_pool):
    f32 = jnp.float32
    c = a_rel[0, 0] * p_rel
    wmat = jnp.zeros((_D, _D), f32)
    wmat = wmat.at[:, 0].set(k_w[:, 0] * c)
    wmat = wmat.at[:, 1].set(v_w[:, 0] * m_rel[0, 0])
    wmat = wmat.at[:, 2].set(q_w[:, 0])
    brow = jnp.zeros((1, _D), f32)
    brow = brow.at[0, 0].set(k_b[0] * c)
    brow = brow.at[0, 1].set(v_b[0] * m_rel[0, 0])
    brow = brow.at[0, 2].set(q_b[0])

    key2, val2, q2, kmax = _proj(x, wmat, brow)

    t = 40.0 / jnp.maximum(kmax[0, 0], 1e-6)
    t16 = jnp.full((16,), t, f32)
    invt = (1.0 / t).reshape(1, 1)

    pad = _E2 - _E
    src = jnp.concatenate([edge_index[0], jnp.zeros((pad,), jnp.int32)])
    pad_dst = _N + (jnp.arange(pad, dtype=jnp.int32) % (_NP - _N))
    dst = jnp.concatenate([edge_index[1], pad_dst])

    key_flat = key2.reshape(_N)
    zflat = jnp.zeros((_PER_SC,), f32)

    T = _p1(src, dst, key_flat, t16, zflat)
    qp = jnp.pad(q2, ((0, _NP - _N), (0, 0)))
    m2 = _stab(T[0, 0].reshape(_NP, 1), T[1, 0].reshape(_NP, 1),
               T[0, 1].reshape(_NP, 1), T[1, 1].reshape(_NP, 1), qp, invt)

    S = _p2(src, dst, key_flat, val2.reshape(_N), q2.reshape(_N),
            m2.reshape(_NP), zflat)

    aw = a_w.reshape(1, 1)
    ab = a_b.reshape(1, 1)
    sw = jnp.sum(w_pool).reshape(1, 1)
    cb = (_D * b_pool[0]).reshape(1, 1)
    score, mmax = _score(S[0, 0].reshape(_NP, 1), S[1, 0].reshape(_NP, 1),
                         S[0, 1].reshape(_NP, 1), S[1, 1].reshape(_NP, 1),
                         aw, ab, sw, cb)

    batchp = jnp.pad(batch, (0, _NP - _N), constant_values=_B).reshape(_NP, 1)
    P = _bsum(score, batchp, mmax)

    pv = P[0, :_B]
    c64 = jnp.where(pv > 0, jnp.log(pv) + mmax[0, 0], 0.0)
    c128 = jnp.pad(c64, (0, 128 - _B)).reshape(1, 128)

    num, den = _pool(x, score, batch.reshape(_N, 1), c128)

    dcol = den[0, :_B]
    safe = jnp.where(dcol > 0, dcol, 1.0)
    pooled = num[:_B, :] / safe[:, None]
    return jnp.where(dcol[:, None] > 0, pooled, 0.0)

# --- scband reference (transcript-rebuilt; emitter-appended) ---
"""Pipeline reference for scband-het-sagpooling-68753836474874 (READ-ONLY COPY).

The authoritative reference and input builder live on the scoring server;
editing this copy changes nothing except your own understanding.
"""

import jax, jax.numpy as jnp
import numpy as np

N = 100000
E = 3200000
D = 128
B = 64


def segment_softmax(scores, segids, num_segments):
    m = jax.ops.segment_max(scores, segids, num_segments=num_segments)
    m = jnp.where(jnp.isfinite(m), m, 0.0)
    ex = jnp.exp(scores - m[segids])
    s = jax.ops.segment_sum(ex, segids, num_segments=num_segments)
    return ex / (s[segids] + 1e-16)


def setup_inputs(seed: int = 0) -> dict:
    key = jax.random.key(seed)
    ks = jax.random.split(key, 16)
    x = jax.random.normal(ks[0], (N, D), dtype=jnp.float32)
    edge_index = jax.random.randint(ks[1], (2, E), 0, N, dtype=jnp.int32)
    batch = jnp.sort(jax.random.randint(ks[2], (N,), 0, B, dtype=jnp.int32))
    # HGTConv (single node type, single edge type, heads=1, out_channels=1) parameters
    k_w = jax.random.normal(ks[3], (D, 1), dtype=jnp.float32) * (1.0 / np.sqrt(D))
    k_b = jnp.zeros((1,), dtype=jnp.float32)
    q_w = jax.random.normal(ks[4], (D, 1), dtype=jnp.float32) * (1.0 / np.sqrt(D))
    q_b = jnp.zeros((1,), dtype=jnp.float32)
    v_w = jax.random.normal(ks[5], (D, 1), dtype=jnp.float32) * (1.0 / np.sqrt(D))
    v_b = jnp.zeros((1,), dtype=jnp.float32)
    a_rel = jax.random.normal(ks[6], (1, 1), dtype=jnp.float32)  # relation key transform
    m_rel = jax.random.normal(ks[7], (1, 1), dtype=jnp.float32)  # relation message transform
    p_rel = jnp.ones((), dtype=jnp.float32)                      # relation prior
    a_w = jax.random.normal(ks[8], (1, 1), dtype=jnp.float32)    # per-node-type output lin
    a_b = jnp.zeros((1,), dtype=jnp.float32)
    # SAG pooling per-node-type params (kaiming on w, zeros on b)
    w_pool = jax.random.normal(ks[9], (1, D), dtype=jnp.float32) * np.sqrt(2.0 / D)
    b_pool = jnp.zeros((1,), dtype=jnp.float32)
    return {
        "x": x, "edge_index": edge_index, "batch": batch,
        "k_w": k_w, "k_b": k_b, "q_w": q_w, "q_b": q_b, "v_w": v_w, "v_b": v_b,
        "a_rel": a_rel, "m_rel": m_rel, "p_rel": p_rel,
        "a_w": a_w, "a_b": a_b, "w_pool": w_pool, "b_pool": b_pool,
    }


def reference(x, edge_index, batch, k_w, k_b, q_w, q_b, v_w, v_b,
              a_rel, m_rel, p_rel, a_w, a_b, w_pool, b_pool):
    src = edge_index[0]
    dst = edge_index[1]
    # HGTConv (single type): projections
    k = x @ k_w + k_b          # [N, 1]
    q = x @ q_w + q_b          # [N, 1]
    v = x @ v_w + v_b          # [N, 1]
    k_r = k @ a_rel            # relation-specific key transform
    v_r = v @ m_rel            # relation-specific message transform
    # per-edge attention (d_head = 1 -> sqrt(d) = 1)
    alpha = jnp.sum(q[dst] * k_r[src], axis=-1) * p_rel    # [E]
    alpha = segment_softmax(alpha, dst, N)                 # softmax over incoming edges
    msg = v_r[src] * alpha[:, None]                        # [E, 1]
    agg = jax.ops.segment_sum(msg, dst, num_segments=N)    # [N, 1]
    attn = jax.nn.gelu(agg) @ a_w + a_b                    # [N, 1] HGT output lin
    # SAG pooling: score = (attn * w + b).sum(-1), softmax over batch segments
    score = jnp.sum(attn * w_pool + b_pool, axis=-1)       # [N]
    attn_soft = segment_softmax(score, batch, B)           # [N]
    xw = x * attn_soft[:, None]                            # [N, D]
    pooled = jax.ops.segment_sum(xw, batch, num_segments=B)  # [B, D]
    return pooled

if __name__ == "__main__":
    import jax
    _d = setup_inputs()
    print(jax.jit(kernel)(*tuple(_d.values())))

</pallas_src>

<mosaic_0001>
#map = affine_map<(d0, d1) -> (0)>
#map1 = affine_map<(d0, d1) -> (0, 0, 0)>
module attributes {stable_mosaic.version = 14 : i64} {
  func.func @_p2_body(%arg0: i32, %arg1: i32, %arg2: memref<3211264xi32, #tpu.memory_space<hbm>>, %arg3: memref<3211264xi32, #tpu.memory_space<hbm>>, %arg4: memref<100000xf32, #tpu.memory_space<hbm>>, %arg5: memref<100000xf32, #tpu.memory_space<hbm>>, %arg6: memref<100000xf32, #tpu.memory_space<hbm>>, %arg7: memref<100352xf32, #tpu.memory_space<hbm>>, %arg8: memref<6272xf32, #tpu.memory_space<hbm>>, %arg9: memref<2x2x100352xf32, #tpu.memory_space<hbm>>, %arg10: memref<7168xi32, #tpu.memory_space<vmem>>, %arg11: memref<7168xi32, #tpu.memory_space<vmem>>, %arg12: memref<7168xf32, #tpu.memory_space<vmem>>, %arg13: memref<7168xf32, #tpu.memory_space<vmem>>, %arg14: memref<7168xf32, #tpu.memory_space<vmem>>, %arg15: memref<7168xf32, #tpu.memory_space<vmem>>, %arg16: memref<7168xf32, #tpu.memory_space<vmem>>, %arg17: memref<7168xf32, #tpu.memory_space<vmem>>, %arg18: memref<100352xf32, #tpu.memory_space<vmem_shared>>, %arg19: memref<100352xf32, #tpu.memory_space<vmem_shared>>) attributes {dimension_semantics = [#tpu.dimension_semantics<core_parallel>, #tpu.dimension_semantics<subcore_parallel>], iteration_bounds = array<i64: 2, 16>, scalar_prefetch = 0 : i64, scratch_operands = 10 : i64, tpu.core_type = #tpu.core_type<sc_vector_subcore>, window_params = [{transform_indices = #map}, {transform_indices = #map}, {transform_indices = #map}, {transform_indices = #map}, {transform_indices = #map}, {transform_indices = #map}, {transform_indices = #map}, {transform_indices = #map1}]} {
    %mul3A = arith.constant 16 : i32
    %mul3A_0 = arith.muli %arg0, %mul3A : i32
    %add3A = arith.addi %mul3A_0, %arg1 : i32
    %mul3A_1 = arith.constant 6272 : i32
    %mul3A_2 = arith.muli %arg1, %mul3A_1 : i32
    "tpu.region"() ({
      %run_scoped3A_9 = tpu.sem_alloc : memref<!tpu.dma_semaphore, #tpu.memory_space<semaphore_mem>>
      %dma_start3A = tpu.memref_slice %arg18[%mul3A_2] : memref<100352xf32, #tpu.memory_space<vmem_shared>> -> memref<6272xf32, #tpu.memory_space<vmem_shared>>
      tpu.enqueue_dma source(%arg8 : memref<6272xf32, #tpu.memory_space<hbm>>) target(%dma_start3A : memref<6272xf32, #tpu.memory_space<vmem_shared>>) target_semaphore(%run_scoped3A_9 : memref<!tpu.dma_semaphore, #tpu.memory_space<semaphore_mem>>)
      %dma_wait3A = tpu.memref_slice %arg18[%mul3A_2] : memref<100352xf32, #tpu.memory_space<vmem_shared>> -> memref<6272xf32, #tpu.memory_space<vmem_shared>>
      tpu.wait_dma2 semaphore(%run_scoped3A_9 : memref<!tpu.dma_semaphore, #tpu.memory_space<semaphore_mem>>) src(%arg8 : memref<6272xf32, #tpu.memory_space<hbm>>) dst(%dma_wait3A : memref<6272xf32, #tpu.memory_space<vmem_shared>>)
      tpu.yield
    }) : () -> ()
    "tpu.region"() ({
      %run_scoped3A_9 = tpu.sem_alloc : memref<!tpu.dma_semaphore, #tpu.memory_space<semaphore_mem>>
      %dma_start3A = tpu.memref_slice %arg19[%mul3A_2] : memref<100352xf32, #tpu.memory_space<vmem_shared>> -> memref<6272xf32, #tpu.memory_space<vmem_shared>>
      tpu.enqueue_dma source(%arg8 : memref<6272xf32, #tpu.memory_space<hbm>>) target(%dma_start3A : memref<6272xf32, #tpu.memory_space<vmem_shared>>) target_semaphore(%run_scoped3A_9 : memref<!tpu.dma_semaphore, #tpu.memory_space<semaphore_mem>>)
      %dma_wait3A = tpu.memref_slice %arg19[%mul3A_2] : memref<100352xf32, #tpu.memory_space<vmem_shared>> -> memref<6272xf32, #tpu.memory_space<vmem_shared>>
      tpu.wait_dma2 semaphore(%run_scoped3A_9 : memref<!tpu.dma_semaphore, #tpu.memory_space<semaphore_mem>>) src(%arg8 : memref<6272xf32, #tpu.memory_space<hbm>>) dst(%dma_wait3A : memref<6272xf32, #tpu.memory_space<vmem_shared>>)
      tpu.yield
    }) : () -> ()
    %barrier3A = arith.constant 0 : index
    tpu.barrier barrier_id(%barrier3A)
    %scan3A = arith.constant 0 : i32
    %scan3A_3 = arith.constant 14 : i32
    %scan3A_4 = arith.addi %scan3A, %scan3A_3 : i32
    %scan3A_5 = arith.constant 1 : i32
    scf.for %scan3A_9 = %scan3A to %scan3A_4 step %scan3A_5  : i32 {
      %mul3A_10 = arith.constant 1 : i32
      %mul3A_11 = arith.muli %scan3A_9, %mul3A_10 : i32
      %add3A_12 = arith.constant 0 : i32
      %add3A_13 = arith.addi %add3A_12, %mul3A_11 : i32
      %mul3A_14 = arith.constant 100352 : i32
      %mul3A_15 = arith.muli %add3A, %mul3A_14 : i32
      %mul3A_16 = arith.constant 7168 : i32
      %mul3A_17 = arith.muli %add3A_13, %mul3A_16 : i32
      %add3A_18 = arith.addi %mul3A_15, %mul3A_17 : i32
      %multiple_of3A = tpu.assume_multiple %add3A_18, 128 : i32
      "tpu.region"() ({
        %run_scoped3A_24 = tpu.sem_alloc : memref<!tpu.dma_semaphore, #tpu.memory_space<semaphore_mem>>
        %dma_start3A = tpu.memref_slice %arg2[%multiple_of3A] : memref<3211264xi32, #tpu.memory_space<hbm>> -> memref<7168xi32, #tpu.memory_space<hbm>>
        %dma_start3A_25 = tpu.memref_slice %arg2[%multiple_of3A] : memref<3211264xi32, #tpu.memory_space<hbm>> -> memref<7168xi32, #tpu.memory_space<hbm>>
        tpu.enqueue_dma source(%dma_start3A_25 : memref<7168xi32, #tpu.memory_space<hbm>>) target(%arg10 : memref<7168xi32, #tpu.memory_space<vmem>>) target_semaphore(%run_scoped3A_24 : memref<!tpu.dma_semaphore, #tpu.memory_space<semaphore_mem>>)
        %dma_wait3A = tpu.memref_slice %arg2[%multiple_of3A] : memref<3211264xi32, #tpu.memory_space<hbm>> -> memref<7168xi32, #tpu.memory_space<hbm>>
        %dma_wait3A_26 = tpu.memref_slice %arg2[%multiple_of3A] : memref<3211264xi32, #tpu.memory_space<hbm>> -> memref<7168xi32, #tpu.memory_space<hbm>>
        tpu.wait_dma2 semaphore(%run_scoped3A_24 : memref<!tpu.dma_semaphore, #tpu.memory_space<semaphore_mem>>) src(%dma_wait3A_26 : memref<7168xi32, #tpu.memory_space<hbm>>) dst(%arg10 : memref<7168xi32, #tpu.memory_space<vmem>>)
        tpu.yield
      }) : () -> ()
      "tpu.region"() ({
        %run_scoped3A_24 = tpu.sem_alloc : memref<!tpu.dma_semaphore, #tpu.memory_space<semaphore_mem>>
        %dma_start3A = tpu.memref_slice %arg3[%multiple_of3A] : memref<3211264xi32, #tpu.memory_space<hbm>> -> memref<7168xi32, #tpu.memory_space<hbm>>
        %dma_start3A_25 = tpu.memref_slice %arg3[%multiple_of3A] : memref<3211264xi32, #tpu.memory_space<hbm>> -> memref<7168xi32, #tpu.memory_space<hbm>>
        tpu.enqueue_dma source(%dma_start3A_25 : memref<7168xi32, #tpu.memory_space<hbm>>) target(%arg11 : memref<7168xi32, #tpu.memory_space<vmem>>) target_semaphore(%run_scoped3A_24 : memref<!tpu.dma_semaphore, #tpu.memory_space<semaphore_mem>>)
        %dma_wait3A = tpu.memref_slice %arg3[%multiple_of3A] : memref<3211264xi32, #tpu.memory_space<hbm>> -> memref<7168xi32, #tpu.memory_space<hbm>>
        %dma_wait3A_26 = tpu.memref_slice %arg3[%multiple_of3A] : memref<3211264xi32, #tpu.memory_space<hbm>> -> memref<7168xi32, #tpu.memory_space<hbm>>
        tpu.wait_dma2 semaphore(%run_scoped3A_24 : memref<!tpu.dma_semaphore, #tpu.memory_space<semaphore_mem>>) src(%dma_wait3A_26 : memref<7168xi32, #tpu.memory_space<hbm>>) dst(%arg11 : memref<7168xi32, #tpu.memory_space<vmem>>)
        tpu.yield
      }) : () -> ()
      "tpu.region"() ({
        %run_scoped3A_24 = tpu.sem_alloc : memref<!tpu.dma_semaphore, #tpu.memory_space<semaphore_mem>>
        %dma_start3A = arith.constant 0 : i32
        %dma_start3A_25 = tpu.memref_slice %arg4[%dma_start3A] : memref<100000xf32, #tpu.memory_space<hbm>> -> memref<100000xf32, #tpu.memory_space<hbm>>
        tpu.enqueue_indirect_dma source(%dma_start3A_25 : memref<100000xf32, #tpu.memory_space<hbm>>) target(%arg12 : memref<7168xf32, #tpu.memory_space<vmem>>) offsets(%arg10 : memref<7168xi32, #tpu.memory_space<vmem>>) semaphore(%run_scoped3A_24 : memref<!tpu.dma_semaphore, #tpu.memory_space<semaphore_mem>>)
        %dma_wait3A = arith.constant 0 : i32
        %dma_wait3A_26 = tpu.memref_slice %arg4[%dma_wait3A] : memref<100000xf32, #tpu.memory_space<hbm>> -> memref<100000xf32, #tpu.memory_space<hbm>>
        tpu.wait_indirect_dma semaphore(%run_scoped3A_24 : memref<!tpu.dma_semaphore, #tpu.memory_space<semaphore_mem>>) src(%dma_wait3A_26 : memref<100000xf32, #tpu.memory_space<hbm>>) dst(%arg12 : memref<7168xf32, #tpu.memory_space<vmem>>)
        tpu.yield
      }) : () -> ()
      "tpu.region"() ({
        %run_scoped3A_24 = tpu.sem_alloc : memref<!tpu.dma_semaphore, #tpu.memory_space<semaphore_mem>>
        %dma_start3A = arith.constant 0 : i32
        %dma_start3A_25 = tpu.memref_slice %arg5[%dma_start3A] : memref<100000xf32, #tpu.memory_space<hbm>> -> memref<100000xf32, #tpu.memory_space<hbm>>
        tpu.enqueue_indirect_dma source(%dma_start3A_25 : memref<100000xf32, #tpu.memory_space<hbm>>) target(%arg13 : memref<7168xf32, #tpu.memory_space<vmem>>) offsets(%arg10 : memref<7168xi32, #tpu.memory_space<vmem>>) semaphore(%run_scoped3A_24 : memref<!tpu.dma_semaphore, #tpu.memory_space<semaphore_mem>>)
        %dma_wait3A = arith.constant 0 : i32
        %dma_wait3A_26 = tpu.memref_slice %arg5[%dma_wait3A] : memref<100000xf32, #tpu.memory_space<hbm>> -> memref<100000xf32, #tpu.memory_space<hbm>>
        tpu.wait_indirect_dma semaphore(%run_scoped3A_24 : memref<!tpu.dma_semaphore, #tpu.memory_space<semaphore_mem>>) src(%dma_wait3A_26 : memref<100000xf32, #tpu.memory_space<hbm>>) dst(%arg13 : memref<7168xf32, #tpu.memory_space<vmem>>)
        tpu.yield
      }) : () -> ()
      "tpu.region"() ({
        %run_scoped3A_24 = tpu.sem_alloc : memref<!tpu.dma_semaphore, #tpu.memory_space<semaphore_mem>>
        %dma_start3A = arith.constant 0 : i32
        %dma_start3A_25 = tpu.memref_slice %arg6[%dma_start3A] : memref<100000xf32, #tpu.memory_space<hbm>> -> memref<100000xf32, #tpu.memory_space<hbm>>
        tpu.enqueue_indirect_dma source(%dma_start3A_25 : memref<100000xf32, #tpu.memory_space<hbm>>) target(%arg14 : memref<7168xf32, #tpu.memory_space<vmem>>) offsets(%arg11 : memref<7168xi32, #tpu.memory_space<vmem>>) semaphore(%run_scoped3A_24 : memref<!tpu.dma_semaphore, #tpu.memory_space<semaphore_mem>>)
        %dma_wait3A = arith.constant 0 : i32
        %dma_wait3A_26 = tpu.memref_slice %arg6[%dma_wait3A] : memref<100000xf32, #tpu.memory_space<hbm>> -> memref<100000xf32, #tpu.memory_space<hbm>>
        tpu.wait_indirect_dma semaphore(%run_scoped3A_24 : memref<!tpu.dma_semaphore, #tpu.memory_space<semaphore_mem>>) src(%dma_wait3A_26 : memref<100000xf32, #tpu.memory_space<hbm>>) dst(%arg14 : memref<7168xf32, #tpu.memory_space<vmem>>)
        tpu.yield
      }) : () -> ()
      "tpu.region"() ({
        %run_scoped3A_24 = tpu.sem_alloc : memref<!tpu.dma_semaphore, #tpu.memory_space<semaphore_mem>>
        %dma_start3A = arith.constant 0 : i32
        %dma_start3A_25 = tpu.memref_slice %arg7[%dma_start3A] : memref<100352xf32, #tpu.memory_space<hbm>> -> memref<100352xf32, #tpu.memory_space<hbm>>
        tpu.enqueue_indirect_dma source(%dma_start3A_25 : memref<100352xf32, #tpu.memory_space<hbm>>) target(%arg15 : memref<7168xf32, #tpu.memory_space<vmem>>) offsets(%arg11 : memref<7168xi32, #tpu.memory_space<vmem>>) semaphore(%run_scoped3A_24 : memref<!tpu.dma_semaphore, #tpu.memory_space<semaphore_mem>>)
        %dma_wait3A = arith.constant 0 : i32
        %dma_wait3A_26 = tpu.memref_slice %arg7[%dma_wait3A] : memref<100352xf32, #tpu.memory_space<hbm>> -> memref<100352xf32, #tpu.memory_space<hbm>>
        tpu.wait_indirect_dma semaphore(%run_scoped3A_24 : memref<!tpu.dma_semaphore, #tpu.memory_space<semaphore_mem>>) src(%dma_wait3A_26 : memref<100352xf32, #tpu.memory_space<hbm>>) dst(%arg15 : memref<7168xf32, #tpu.memory_space<vmem>>)
        tpu.yield
      }) : () -> ()
      %scan3A_19 = arith.constant 0 : i32
      %scan3A_20 = arith.constant 448 : i32
      %scan3A_21 = arith.addi %scan3A_19, %scan3A_20 : i32
      %scan3A_22 = arith.constant 1 : i32
      scf.for %scan3A_24 = %scan3A_19 to %scan3A_21 step %scan3A_22  : i32 {
        %mul3A_25 = arith.constant 16 : i32
        %mul3A_26 = arith.muli %scan3A_24, %mul3A_25 : i32
        %add3A_27 = arith.constant 0 : i32
        %add3A_28 = arith.addi %add3A_27, %mul3A_26 : i32
        %get3A = arith.index_cast %add3A_28 : i32 to index
        %get3A_29 = tpu.vector_load %arg14[%get3A] {strides = array<i32>} : memref<7168xf32, #tpu.memory_space<vmem>>, vector<16xf32>,
        %get3A_30 = arith.index_cast %add3A_28 : i32 to index
        %get3A_31 = tpu.vector_load %arg12[%get3A_30] {strides = array<i32>} : memref<7168xf32, #tpu.memory_space<vmem>>, vector<16xf32>,
        %mul3A_32 = arith.mulf %get3A_29, %get3A_31 : vector<16xf32>
        %get3A_33 = arith.index_cast %add3A_28 : i32 to index
        %get3A_34 = tpu.vector_load %arg15[%get3A_33] {strides = array<i32>} : memref<7168xf32, #tpu.memory_space<vmem>>, vector<16xf32>,
        %sub3A = arith.subf %mul3A_32, %get3A_34 : vector<16xf32>
        %exp3A = math.exp %sub3A : vector<16xf32>
        %swap3A = arith.index_cast %add3A_28 : i32 to index
        %swap3A_35 = tpu.vector_load %arg16[%swap3A] {strides = array<i32>} : memref<7168xf32, #tpu.memory_space<vmem>>, vector<16xf32>,
        tpu.vector_store %arg16[%swap3A], %exp3A {strides = array<i32>} : memref<7168xf32, #tpu.memory_space<vmem>>, vector<16xf32>,
        %get3A_36 = arith.index_cast %add3A_28 : i32 to index
        %get3A_37 = tpu.vector_load %arg13[%get3A_36] {strides = array<i32>} : memref<7168xf32, #tpu.memory_space<vmem>>, vector<16xf32>,
        %mul3A_38 = arith.mulf %exp3A, %get3A_37 : vector<16xf32>
        %swap3A_39 = arith.index_cast %add3A_28 : i32 to index
        %swap3A_40 = tpu.vector_load %arg17[%swap3A_39] {strides = array<i32>} : memref<7168xf32, #tpu.memory_space<vmem>>, vector<16xf32>,
        tpu.vector_store %arg17[%swap3A_39], %mul3A_38 {strides = array<i32>} : memref<7168xf32, #tpu.memory_space<vmem>>, vector<16xf32>,
      }
      %scan3A_23 = arith.constant 448 : i32
      "tpu.region"() ({
        %run_scoped3A_24 = tpu.sem_alloc : memref<!tpu.dma_semaphore, #tpu.memory_space<semaphore_mem>>
        %dma_start3A = arith.constant 0 : i32
        %dma_start3A_25 = tpu.memref_slice %arg18[%dma_start3A] : memref<100352xf32, #tpu.memory_space<vmem_shared>> -> memref<100352xf32, #tpu.memory_space<vmem_shared>>
        tpu.enqueue_indirect_dma source(%arg16 : memref<7168xf32, #tpu.memory_space<vmem>>) target(%dma_start3A_25 : memref<100352xf32, #tpu.memory_space<vmem_shared>>) offsets(%arg11 : memref<7168xi32, #tpu.memory_space<vmem>>) semaphore(%run_scoped3A_24 : memref<!tpu.dma_semaphore, #tpu.memory_space<semaphore_mem>>) {add = true}
        %dma_wait3A = arith.constant 0 : i32
        %dma_wait3A_26 = tpu.memref_slice %arg18[%dma_wait3A] : memref<100352xf32, #tpu.memory_space<vmem_shared>> -> memref<100352xf32, #tpu.memory_space<vmem_shared>>
        tpu.wait_indirect_dma semaphore(%run_scoped3A_24 : memref<!tpu.dma_semaphore, #tpu.memory_space<semaphore_mem>>) src(%arg16 : memref<7168xf32, #tpu.memory_space<vmem>>) dst(%dma_wait3A_26 : memref<100352xf32, #tpu.memory_space<vmem_shared>>)
        tpu.yield
      }) : () -> ()
      "tpu.region"() ({
        %run_scoped3A_24 = tpu.sem_alloc : memref<!tpu.dma_semaphore, #tpu.memory_space<semaphore_mem>>
        %dma_start3A = arith.constant 0 : i32
        %dma_start3A_25 = tpu.memref_slice %arg19[%dma_start3A] : memref<100352xf32, #tpu.memory_space<vmem_shared>> -> memref<100352xf32, #tpu.memory_space<vmem_shared>>
        tpu.enqueue_indirect_dma source(%arg17 : memref<7168xf32, #tpu.memory_space<vmem>>) target(%dma_start3A_25 : memref<100352xf32, #tpu.memory_space<vmem_shared>>) offsets(%arg11 : memref<7168xi32, #tpu.memory_space<vmem>>) semaphore(%run_scoped3A_24 : memref<!tpu.dma_semaphore, #tpu.memory_space<semaphore_mem>>) {add = true}
        %dma_wait3A = arith.constant 0 : i32
        %dma_wait3A_26 = tpu.memref_slice %arg19[%dma_wait3A] : memref<100352xf32, #tpu.memory_space<vmem_shared>> -> memref<100352xf32, #tpu.memory_space<vmem_shared>>
        tpu.wait_indirect_dma semaphore(%run_scoped3A_24 : memref<!tpu.dma_semaphore, #tpu.memory_space<semaphore_mem>>) src(%arg17 : memref<7168xf32, #tpu.memory_space<vmem>>) dst(%dma_wait3A_26 : memref<100352xf32, #tpu.memory_space<vmem_shared>>)
        tpu.yield
      }) : () -> ()
    }
    %scan3A_6 = arith.constant 14 : i32
    %barrier3A_7 = arith.constant 0 : index
    tpu.barrier barrier_id(%barrier3A_7)
    %run_scoped3A = arith.constant 0 : i32
    "tpu.region"() ({
      %run_scoped3A_9 = tpu.sem_alloc : memref<!tpu.dma_semaphore, #tpu.memory_space<semaphore_mem>>
      %dma_start3A = tpu.memref_slice %arg9[%arg0, %run_scoped3A, %mul3A_2] : memref<2x2x100352xf32, #tpu.memory_space<hbm>> -> memref<1x1x6272xf32, #tpu.memory_space<hbm>>
      %dma_start3A_10 = tpu.memref_squeeze %dma_start3A : memref<1x1x6272xf32, #tpu.memory_space<hbm>> -> memref<6272xf32, #tpu.memory_space<hbm>>
      %dma_start3A_11 = tpu.memref_slice %arg18[%mul3A_2] : memref<100352xf32, #tpu.memory_space<vmem_shared>> -> memref<6272xf32, #tpu.memory_space<vmem_shared>>
      tpu.enqueue_dma source(%dma_start3A_11 : memref<6272xf32, #tpu.memory_space<vmem_shared>>) target(%dma_start3A_10 : memref<6272xf32, #tpu.memory_space<hbm>>) target_semaphore(%run_scoped3A_9 : memref<!tpu.dma_semaphore, #tpu.memory_space<semaphore_mem>>)
      %dma_wait3A = tpu.memref_slice %arg9[%arg0, %run_scoped3A, %mul3A_2] : memref<2x2x100352xf32, #tpu.memory_space<hbm>> -> memref<1x1x6272xf32, #tpu.memory_space<hbm>>
      %dma_wait3A_12 = tpu.memref_squeeze %dma_wait3A : memref<1x1x6272xf32, #tpu.memory_space<hbm>> -> memref<6272xf32, #tpu.memory_space<hbm>>
      %dma_wait3A_13 = tpu.memref_slice %arg18[%mul3A_2] : memref<100352xf32, #tpu.memory_space<vmem_shared>> -> memref<6272xf32, #tpu.memory_space<vmem_shared>>
      tpu.wait_dma2 semaphore(%run_scoped3A_9 : memref<!tpu.dma_semaphore, #tpu.memory_space<semaphore_mem>>) src(%dma_wait3A_13 : memref<6272xf32, #tpu.memory_space<vmem_shared>>) dst(%dma_wait3A_12 : memref<6272xf32, #tpu.memory_space<hbm>>)
      tpu.yield
    }) : () -> ()
    %run_scoped3A_8 = arith.constant 1 : i32
    "tpu.region"() ({
      %run_scoped3A_9 = tpu.sem_alloc : memref<!tpu.dma_semaphore, #tpu.memory_space<semaphore_mem>>
      %dma_start3A = tpu.memref_slice %arg9[%arg0, %run_scoped3A_8, %mul3A_2] : memref<2x2x100352xf32, #tpu.memory_space<hbm>> -> memref<1x1x6272xf32, #tpu.memory_space<hbm>>
      %dma_start3A_10 = tpu.memref_squeeze %dma_start3A : memref<1x1x6272xf32, #tpu.memory_space<hbm>> -> memref<6272xf32, #tpu.memory_space<hbm>>
      %dma_start3A_11 = tpu.memref_slice %arg19[%mul3A_2] : memref<100352xf32, #tpu.memory_space<vmem_shared>> -> memref<6272xf32, #tpu.memory_space<vmem_shared>>
      tpu.enqueue_dma source(%dma_start3A_11 : memref<6272xf32, #tpu.memory_space<vmem_shared>>) target(%dma_start3A_10 : memref<6272xf32, #tpu.memory_space<hbm>>) target_semaphore(%run_scoped3A_9 : memref<!tpu.dma_semaphore, #tpu.memory_space<semaphore_mem>>)
      %dma_wait3A = tpu.memref_slice %arg9[%arg0, %run_scoped3A_8, %mul3A_2] : memref<2x2x100352xf32, #tpu.memory_space<hbm>> -> memref<1x1x6272xf32, #tpu.memory_space<hbm>>
      %dma_wait3A_12 = tpu.memref_squeeze %dma_wait3A : memref<1x1x6272xf32, #tpu.memory_space<hbm>> -> memref<6272xf32, #tpu.memory_space<hbm>>
      %dma_wait3A_13 = tpu.memref_slice %arg19[%mul3A_2] : memref<100352xf32, #tpu.memory_space<vmem_shared>> -> memref<6272xf32, #tpu.memory_space<vmem_shared>>
      tpu.wait_dma2 semaphore(%run_scoped3A_9 : memref<!tpu.dma_semaphore, #tpu.memory_space<semaphore_mem>>) src(%dma_wait3A_13 : memref<6272xf32, #tpu.memory_space<vmem_shared>>) dst(%dma_wait3A_12 : memref<6272xf32, #tpu.memory_space<hbm>>)
      tpu.yield
    }) : () -> ()
    return
  }
}

#map = affine_map<(d0, d1) -> (0)>
#map1 = affine_map<(d0, d1) -> (0, 0, 0)>
module attributes {stable_mosaic.version = 14 : i64} {
  func.func @_p1_body(%arg0: i32, %arg1: i32, %arg2: memref<3211264xi32, #tpu.memory_space<hbm>>, %arg3: memref<3211264xi32, #tpu.memory_space<hbm>>, %arg4: memref<100000xf32, #tpu.memory_space<hbm>>, %arg5: memref<16xf32, #tpu.memory_space<hbm>>, %arg6: memref<6272xf32, #tpu.memory_space<hbm>>, %arg7: memref<2x2x100352xf32, #tpu.memory_space<hbm>>, %arg8: memref<7168xi32, #tpu.memory_space<vmem>>, %arg9: memref<7168xi32, #tpu.memory_space<vmem>>, %arg10: memref<7168xf32, #tpu.memory_space<vmem>>, %arg11: memref<7168xf32, #tpu.memory_space<vmem>>, %arg12: memref<7168xf32, #tpu.memory_space<vmem>>, %arg13: memref<16xf32, #tpu.memory_space<vmem>>, %arg14: memref<100352xf32, #tpu.memory_space<vmem_shared>>, %arg15: memref<100352xf32, #tpu.memory_space<vmem_shared>>) attributes {dimension_semantics = [#tpu.dimension_semantics<core_parallel>, #tpu.dimension_semantics<subcore_parallel>], iteration_bounds = array<i64: 2, 16>, scalar_prefetch = 0 : i64, scratch_operands = 8 : i64, tpu.core_type = #tpu.core_type<sc_vector_subcore>, window_params = [{transform_indices = #map}, {transform_indices = #map}, {transform_indices = #map}, {transform_indices = #map}, {transform_indices = #map}, {transform_indices = #map1}]} {
    %mul3A = arith.constant 16 : i32
    %mul3A_0 = arith.muli %arg0, %mul3A : i32
    %add3A = arith.addi %mul3A_0, %arg1 : i32
    "tpu.region"() ({
      %run_scoped3A_10 = tpu.sem_alloc : memref<!tpu.dma_semaphore, #tpu.memory_space<semaphore_mem>>
      tpu.enqueue_dma source(%arg5 : memref<16xf32, #tpu.memory_space<hbm>>) target(%arg13 : memref<16xf32, #tpu.memory_space<vmem>>) target_semaphore(%run_scoped3A_10 : memref<!tpu.dma_semaphore, #tpu.memory_space<semaphore_mem>>)
      tpu.wait_dma2 semaphore(%run_scoped3A_10 : memref<!tpu.dma_semaphore, #tpu.memory_space<semaphore_mem>>) src(%arg5 : memref<16xf32, #tpu.memory_space<hbm>>) dst(%arg13 : memref<16xf32, #tpu.memory_space<vmem>>)
      tpu.yield
    }) : () -> ()
    %mul3A_1 = arith.constant 6272 : i32
    %mul3A_2 = arith.muli %arg1, %mul3A_1 : i32
    "tpu.region"() ({
      %run_scoped3A_10 = tpu.sem_alloc : memref<!tpu.dma_semaphore, #tpu.memory_space<semaphore_mem>>
      %dma_start3A = tpu.memref_slice %arg14[%mul3A_2] : memref<100352xf32, #tpu.memory_space<vmem_shared>> -> memref<6272xf32, #tpu.memory_space<vmem_shared>>
      tpu.enqueue_dma source(%arg6 : memref<6272xf32, #tpu.memory_space<hbm>>) target(%dma_start3A : memref<6272xf32, #tpu.memory_space<vmem_shared>>) target_semaphore(%run_scoped3A_10 : memref<!tpu.dma_semaphore, #tpu.memory_space<semaphore_mem>>)
      %dma_wait3A = tpu.memref_slice %arg14[%mul3A_2] : memref<100352xf32, #tpu.memory_space<vmem_shared>> -> memref<6272xf32, #tpu.memory_space<vmem_shared>>
      tpu.wait_dma2 semaphore(%run_scoped3A_10 : memref<!tpu.dma_semaphore, #tpu.memory_space<semaphore_mem>>) src(%arg6 : memref<6272xf32, #tpu.memory_space<hbm>>) dst(%dma_wait3A : memref<6272xf32, #tpu.memory_space<vmem_shared>>)
      tpu.yield
    }) : () -> ()
    "tpu.region"() ({
      %run_scoped3A_10 = tpu.sem_alloc : memref<!tpu.dma_semaphore, #tpu.memory_space<semaphore_mem>>
      %dma_start3A = tpu.memref_slice %arg15[%mul3A_2] : memref<100352xf32, #tpu.memory_space<vmem_shared>> -> memref<6272xf32, #tpu.memory_space<vmem_shared>>
      tpu.enqueue_dma source(%arg6 : memref<6272xf32, #tpu.memory_space<hbm>>) target(%dma_start3A : memref<6272xf32, #tpu.memory_space<vmem_shared>>) target_semaphore(%run_scoped3A_10 : memref<!tpu.dma_semaphore, #tpu.memory_space<semaphore_mem>>)
      %dma_wait3A = tpu.memref_slice %arg15[%mul3A_2] : memref<100352xf32, #tpu.memory_space<vmem_shared>> -> memref<6272xf32, #tpu.memory_space<vmem_shared>>
      tpu.wait_dma2 semaphore(%run_scoped3A_10 : memref<!tpu.dma_semaphore, #tpu.memory_space<semaphore_mem>>) src(%arg6 : memref<6272xf32, #tpu.memory_space<hbm>>) dst(%dma_wait3A : memref<6272xf32, #tpu.memory_space<vmem_shared>>)
      tpu.yield
    }) : () -> ()
    %barrier3A = arith.constant 0 : index
    tpu.barrier barrier_id(%barrier3A)
    %get3A = arith.constant 0 : index
    %get3A_3 = tpu.vector_load %arg13[%get3A] {strides = array<i32>} : memref<16xf32, #tpu.memory_space<vmem>>, vector<16xf32>,
    %scan3A = arith.constant 0 : i32
    %scan3A_4 = arith.constant 14 : i32
    %scan3A_5 = arith.addi %scan3A, %scan3A_4 : i32
    %scan3A_6 = arith.constant 1 : i32
    scf.for %scan3A_10 = %scan3A to %scan3A_5 step %scan3A_6  : i32 {
      %mul3A_11 = arith.constant 1 : i32
      %mul3A_12 = arith.muli %scan3A_10, %mul3A_11 : i32
      %add3A_13 = arith.constant 0 : i32
      %add3A_14 = arith.addi %add3A_13, %mul3A_12 : i32
      %mul3A_15 = arith.constant 100352 : i32
      %mul3A_16 = arith.muli %add3A, %mul3A_15 : i32
      %mul3A_17 = arith.constant 7168 : i32
      %mul3A_18 = arith.muli %add3A_14, %mul3A_17 : i32
      %add3A_19 = arith.addi %mul3A_16, %mul3A_18 : i32
      %multiple_of3A = tpu.assume_multiple %add3A_19, 128 : i32
      "tpu.region"() ({
        %run_scoped3A_25 = tpu.sem_alloc : memref<!tpu.dma_semaphore, #tpu.memory_space<semaphore_mem>>
        %dma_start3A = tpu.memref_slice %arg2[%multiple_of3A] : memref<3211264xi32, #tpu.memory_space<hbm>> -> memref<7168xi32, #tpu.memory_space<hbm>>
        %dma_start3A_26 = tpu.memref_slice %arg2[%multiple_of3A] : memref<3211264xi32, #tpu.memory_space<hbm>> -> memref<7168xi32, #tpu.memory_space<hbm>>
        tpu.enqueue_dma source(%dma_start3A_26 : memref<7168xi32, #tpu.memory_space<hbm>>) target(%arg8 : memref<7168xi32, #tpu.memory_space<vmem>>) target_semaphore(%run_scoped3A_25 : memref<!tpu.dma_semaphore, #tpu.memory_space<semaphore_mem>>)
        %dma_wait3A = tpu.memref_slice %arg2[%multiple_of3A] : memref<3211264xi32, #tpu.memory_space<hbm>> -> memref<7168xi32, #tpu.memory_space<hbm>>
        %dma_wait3A_27 = tpu.memref_slice %arg2[%multiple_of3A] : memref<3211264xi32, #tpu.memory_space<hbm>> -> memref<7168xi32, #tpu.memory_space<hbm>>
        tpu.wait_dma2 semaphore(%run_scoped3A_25 : memref<!tpu.dma_semaphore, #tpu.memory_space<semaphore_mem>>) src(%dma_wait3A_27 : memref<7168xi32, #tpu.memory_space<hbm>>) dst(%arg8 : memref<7168xi32, #tpu.memory_space<vmem>>)
        tpu.yield
      }) : () -> ()
      "tpu.region"() ({
        %run_scoped3A_25 = tpu.sem_alloc : memref<!tpu.dma_semaphore, #tpu.memory_space<semaphore_mem>>
        %dma_start3A = tpu.memref_slice %arg3[%multiple_of3A] : memref<3211264xi32, #tpu.memory_space<hbm>> -> memref<7168xi32, #tpu.memory_space<hbm>>
        %dma_start3A_26 = tpu.memref_slice %arg3[%multiple_of3A] : memref<3211264xi32, #tpu.memory_space<hbm>> -> memref<7168xi32, #tpu.memory_space<hbm>>
        tpu.enqueue_dma source(%dma_start3A_26 : memref<7168xi32, #tpu.memory_space<hbm>>) target(%arg9 : memref<7168xi32, #tpu.memory_space<vmem>>) target_semaphore(%run_scoped3A_25 : memref<!tpu.dma_semaphore, #tpu.memory_space<semaphore_mem>>)
        %dma_wait3A = tpu.memref_slice %arg3[%multiple_of3A] : memref<3211264xi32, #tpu.memory_space<hbm>> -> memref<7168xi32, #tpu.memory_space<hbm>>
        %dma_wait3A_27 = tpu.memref_slice %arg3[%multiple_of3A] : memref<3211264xi32, #tpu.memory_space<hbm>> -> memref<7168xi32, #tpu.memory_space<hbm>>
        tpu.wait_dma2 semaphore(%run_scoped3A_25 : memref<!tpu.dma_semaphore, #tpu.memory_space<semaphore_mem>>) src(%dma_wait3A_27 : memref<7168xi32, #tpu.memory_space<hbm>>) dst(%arg9 : memref<7168xi32, #tpu.memory_space<vmem>>)
        tpu.yield
      }) : () -> ()
      "tpu.region"() ({
        %run_scoped3A_25 = tpu.sem_alloc : memref<!tpu.dma_semaphore, #tpu.memory_space<semaphore_mem>>
        %dma_start3A = arith.constant 0 : i32
        %dma_start3A_26 = tpu.memref_slice %arg4[%dma_start3A] : memref<100000xf32, #tpu.memory_space<hbm>> -> memref<100000xf32, #tpu.memory_space<hbm>>
        tpu.enqueue_indirect_dma source(%dma_start3A_26 : memref<100000xf32, #tpu.memory_space<hbm>>) target(%arg10 : memref<7168xf32, #tpu.memory_space<vmem>>) offsets(%arg8 : memref<7168xi32, #tpu.memory_space<vmem>>) semaphore(%run_scoped3A_25 : memref<!tpu.dma_semaphore, #tpu.memory_space<semaphore_mem>>)
        %dma_wait3A = arith.constant 0 : i32
        %dma_wait3A_27 = tpu.memref_slice %arg4[%dma_wait3A] : memref<100000xf32, #tpu.memory_space<hbm>> -> memref<100000xf32, #tpu.memory_space<hbm>>
        tpu.wait_indirect_dma semaphore(%run_scoped3A_25 : memref<!tpu.dma_semaphore, #tpu.memory_space<semaphore_mem>>) src(%dma_wait3A_27 : memref<100000xf32, #tpu.memory_space<hbm>>) dst(%arg10 : memref<7168xf32, #tpu.memory_space<vmem>>)
        tpu.yield
      }) : () -> ()
      %scan3A_20 = arith.constant 0 : i32
      %scan3A_21 = arith.constant 448 : i32
      %scan3A_22 = arith.addi %scan3A_20, %scan3A_21 : i32
      %scan3A_23 = arith.constant 1 : i32
      scf.for %scan3A_25 = %scan3A_20 to %scan3A_22 step %scan3A_23  : i32 {
        %mul3A_26 = arith.constant 16 : i32
        %mul3A_27 = arith.muli %scan3A_25, %mul3A_26 : i32
        %add3A_28 = arith.constant 0 : i32
        %add3A_29 = arith.addi %add3A_28, %mul3A_27 : i32
        %get3A_30 = arith.index_cast %add3A_29 : i32 to index
        %get3A_31 = tpu.vector_load %arg10[%get3A_30] {strides = array<i32>} : memref<7168xf32, #tpu.memory_space<vmem>>, vector<16xf32>,
        %mul3A_32 = arith.mulf %get3A_31, %get3A_3 : vector<16xf32>
        %exp3A = math.exp %mul3A_32 : vector<16xf32>
        %swap3A = arith.index_cast %add3A_29 : i32 to index
        %swap3A_33 = tpu.vector_load %arg11[%swap3A] {strides = array<i32>} : memref<7168xf32, #tpu.memory_space<vmem>>, vector<16xf32>,
        tpu.vector_store %arg11[%swap3A], %exp3A {strides = array<i32>} : memref<7168xf32, #tpu.memory_space<vmem>>, vector<16xf32>,
        %neg3A = arith.constant 0.000000e+00 : f32
        %neg3A_34 = vector.broadcast %neg3A : f32 to vector<16xf32>
        %neg3A_35 = arith.subf %neg3A_34, %mul3A_32 : vector<16xf32>
        %exp3A_36 = math.exp %neg3A_35 : vector<16xf32>
        %swap3A_37 = arith.index_cast %add3A_29 : i32 to index
        %swap3A_38 = tpu.vector_load %arg12[%swap3A_37] {strides = array<i32>} : memref<7168xf32, #tpu.memory_space<vmem>>, vector<16xf32>,
        tpu.vector_store %arg12[%swap3A_37], %exp3A_36 {strides = array<i32>} : memref<7168xf32, #tpu.memory_space<vmem>>, vector<16xf32>,
      }
      %scan3A_24 = arith.constant 448 : i32
      "tpu.region"() ({
        %run_scoped3A_25 = tpu.sem_alloc : memref<!tpu.dma_semaphore, #tpu.memory_space<semaphore_mem>>
        %dma_start3A = arith.constant 0 : i32
        %dma_start3A_26 = tpu.memref_slice %arg14[%dma_start3A] : memref<100352xf32, #tpu.memory_space<vmem_shared>> -> memref<100352xf32, #tpu.memory_space<vmem_shared>>
        tpu.enqueue_indirect_dma source(%arg11 : memref<7168xf32, #tpu.memory_space<vmem>>) target(%dma_start3A_26 : memref<100352xf32, #tpu.memory_space<vmem_shared>>) offsets(%arg9 : memref<7168xi32, #tpu.memory_space<vmem>>) semaphore(%run_scoped3A_25 : memref<!tpu.dma_semaphore, #tpu.memory_space<semaphore_mem>>) {add = true}
        %dma_wait3A = arith.constant 0 : i32
        %dma_wait3A_27 = tpu.memref_slice %arg14[%dma_wait3A] : memref<100352xf32, #tpu.memory_space<vmem_shared>> -> memref<100352xf32, #tpu.memory_space<vmem_shared>>
        tpu.wait_indirect_dma semaphore(%run_scoped3A_25 : memref<!tpu.dma_semaphore, #tpu.memory_space<semaphore_mem>>) src(%arg11 : memref<7168xf32, #tpu.memory_space<vmem>>) dst(%dma_wait3A_27 : memref<100352xf32, #tpu.memory_space<vmem_shared>>)
        tpu.yield
      }) : () -> ()
      "tpu.region"() ({
        %run_scoped3A_25 = tpu.sem_alloc : memref<!tpu.dma_semaphore, #tpu.memory_space<semaphore_mem>>
        %dma_start3A = arith.constant 0 : i32
        %dma_start3A_26 = tpu.memref_slice %arg15[%dma_start3A] : memref<100352xf32, #tpu.memory_space<vmem_shared>> -> memref<100352xf32, #tpu.memory_space<vmem_shared>>
        tpu.enqueue_indirect_dma source(%arg12 : memref<7168xf32, #tpu.memory_space<vmem>>) target(%dma_start3A_26 : memref<100352xf32, #tpu.memory_space<vmem_shared>>) offsets(%arg9 : memref<7168xi32, #tpu.memory_space<vmem>>) semaphore(%run_scoped3A_25 : memref<!tpu.dma_semaphore, #tpu.memory_space<semaphore_mem>>) {add = true}
        %dma_wait3A = arith.constant 0 : i32
        %dma_wait3A_27 = tpu.memref_slice %arg15[%dma_wait3A] : memref<100352xf32, #tpu.memory_space<vmem_shared>> -> memref<100352xf32, #tpu.memory_space<vmem_shared>>
        tpu.wait_indirect_dma semaphore(%run_scoped3A_25 : memref<!tpu.dma_semaphore, #tpu.memory_space<semaphore_mem>>) src(%arg12 : memref<7168xf32, #tpu.memory_space<vmem>>) dst(%dma_wait3A_27 : memref<100352xf32, #tpu.memory_space<vmem_shared>>)
        tpu.yield
      }) : () -> ()
    }
    %scan3A_7 = arith.constant 14 : i32
    %barrier3A_8 = arith.constant 0 : index
    tpu.barrier barrier_id(%barrier3A_8)
    %run_scoped3A = arith.constant 0 : i32
    "tpu.region"() ({
      %run_scoped3A_10 = tpu.sem_alloc : memref<!tpu.dma_semaphore, #tpu.memory_space<semaphore_mem>>
      %dma_start3A = tpu.memref_slice %arg7[%arg0, %run_scoped3A, %mul3A_2] : memref<2x2x100352xf32, #tpu.memory_space<hbm>> -> memref<1x1x6272xf32, #tpu.memory_space<hbm>>
      %dma_start3A_11 = tpu.memref_squeeze %dma_start3A : memref<1x1x6272xf32, #tpu.memory_space<hbm>> -> memref<6272xf32, #tpu.memory_space<hbm>>
      %dma_start3A_12 = tpu.memref_slice %arg14[%mul3A_2] : memref<100352xf32, #tpu.memory_space<vmem_shared>> -> memref<6272xf32, #tpu.memory_space<vmem_shared>>
      tpu.enqueue_dma source(%dma_start3A_12 : memref<6272xf32, #tpu.memory_space<vmem_shared>>) target(%dma_start3A_11 : memref<6272xf32, #tpu.memory_space<hbm>>) target_semaphore(%run_scoped3A_10 : memref<!tpu.dma_semaphore, #tpu.memory_space<semaphore_mem>>)
      %dma_wait3A = tpu.memref_slice %arg7[%arg0, %run_scoped3A, %mul3A_2] : memref<2x2x100352xf32, #tpu.memory_space<hbm>> -> memref<1x1x6272xf32, #tpu.memory_space<hbm>>
      %dma_wait3A_13 = tpu.memref_squeeze %dma_wait3A : memref<1x1x6272xf32, #tpu.memory_space<hbm>> -> memref<6272xf32, #tpu.memory_space<hbm>>
      %dma_wait3A_14 = tpu.memref_slice %arg14[%mul3A_2] : memref<100352xf32, #tpu.memory_space<vmem_shared>> -> memref<6272xf32, #tpu.memory_space<vmem_shared>>
      tpu.wait_dma2 semaphore(%run_scoped3A_10 : memref<!tpu.dma_semaphore, #tpu.memory_space<semaphore_mem>>) src(%dma_wait3A_14 : memref<6272xf32, #tpu.memory_space<vmem_shared>>) dst(%dma_wait3A_13 : memref<6272xf32, #tpu.memory_space<hbm>>)
      tpu.yield
    }) : () -> ()
    %run_scoped3A_9 = arith.constant 1 : i32
    "tpu.region"() ({
      %run_scoped3A_10 = tpu.sem_alloc : memref<!tpu.dma_semaphore, #tpu.memory_space<semaphore_mem>>
      %dma_start3A = tpu.memref_slice %arg7[%arg0, %run_scoped3A_9, %mul3A_2] : memref<2x2x100352xf32, #tpu.memory_space<hbm>> -> memref<1x1x6272xf32, #tpu.memory_space<hbm>>
      %dma_start3A_11 = tpu.memref_squeeze %dma_start3A : memref<1x1x6272xf32, #tpu.memory_space<hbm>> -> memref<6272xf32, #tpu.memory_space<hbm>>
      %dma_start3A_12 = tpu.memref_slice %arg15[%mul3A_2] : memref<100352xf32, #tpu.memory_space<vmem_shared>> -> memref<6272xf32, #tpu.memory_space<vmem_shared>>
      tpu.enqueue_dma source(%dma_start3A_12 : memref<6272xf32, #tpu.memory_space<vmem_shared>>) target(%dma_start3A_11 : memref<6272xf32, #tpu.memory_space<hbm>>) target_semaphore(%run_scoped3A_10 : memref<!tpu.dma_semaphore, #tpu.memory_space<semaphore_mem>>)
      %dma_wait3A = tpu.memref_slice %arg7[%arg0, %run_scoped3A_9, %mul3A_2] : memref<2x2x100352xf32, #tpu.memory_space<hbm>> -> memref<1x1x6272xf32, #tpu.memory_space<hbm>>
      %dma_wait3A_13 = tpu.memref_squeeze %dma_wait3A : memref<1x1x6272xf32, #tpu.memory_space<hbm>> -> memref<6272xf32, #tpu.memory_space<hbm>>
      %dma_wait3A_14 = tpu.memref_slice %arg15[%mul3A_2] : memref<100352xf32, #tpu.memory_space<vmem_shared>> -> memref<6272xf32, #tpu.memory_space<vmem_shared>>
      tpu.wait_dma2 semaphore(%run_scoped3A_10 : memref<!tpu.dma_semaphore, #tpu.memory_space<semaphore_mem>>) src(%dma_wait3A_14 : memref<6272xf32, #tpu.memory_space<vmem_shared>>) dst(%dma_wait3A_13 : memref<6272xf32, #tpu.memory_space<hbm>>)
      tpu.yield
    }) : () -> ()
    return
  }
}

module attributes {stable_mosaic.version = 14 : i64} {
  func.func @_proj_body(%arg0: i32, %arg1: memref<2000x128xf32, #tpu.memory_space<vmem>>, %arg2: memref<128x128xf32, #tpu.memory_space<vmem>>, %arg3: memref<1x128xf32, #tpu.memory_space<vmem>>, %arg4: memref<2000x1xf32, #tpu.memory_space<vmem>>, %arg5: memref<2000x1xf32, #tpu.memory_space<vmem>>, %arg6: memref<2000x1xf32, #tpu.memory_space<vmem>>, %arg7: memref<1x1xf32, #tpu.memory_space<smem>>) attributes {dimension_semantics = [#tpu.dimension_semantics<arbitrary>], iteration_bounds = array<i64: 50>, scalar_prefetch = 0 : i64, scratch_operands = 0 : i64, tpu.core_type = #tpu.core_type<tc>, window_params = [{transform_indices = @transform_0, window_bounds = array<i64: 2000, 128>}, {pipeline_mode = #tpu.pipeline_mode<synchronous>, transform_indices = @transform_1, window_bounds = array<i64: 128, 128>}, {pipeline_mode = #tpu.pipeline_mode<synchronous>, transform_indices = @transform_2, window_bounds = array<i64: 1, 128>}, {transform_indices = @transform_3, window_bounds = array<i64: 2000, 1>}, {transform_indices = @transform_4, window_bounds = array<i64: 2000, 1>}, {transform_indices = @transform_5, window_bounds = array<i64: 2000, 1>}, {transform_indices = @transform_6, window_bounds = array<i64: 1, 1>}]} {
    %get3A = arith.constant 0 : index
    %get3A_0 = arith.constant 0 : index
    %get3A_1 = vector.load %arg1[%get3A, %get3A_0] : memref<2000x128xf32, #tpu.memory_space<vmem>>, vector<2000x128xf32>
    %get3A_2 = arith.constant 0 : index
    %get3A_3 = arith.constant 0 : index
    %get3A_4 = vector.load %arg2[%get3A_2, %get3A_3] : memref<128x128xf32, #tpu.memory_space<vmem>>, vector<128x128xf32>
    %dot_general3A = arith.constant dense<0.000000e+00> : vector<2000x128xf32>
    %dot_general3A_5 = tpu.matmul %get3A_1, %get3A_4, %dot_general3A {dimension_numbers = #tpu.dot_dimension_numbers<[1], [0], [0], [1], [0, 0, 1, 1], [], []>, transpose_lhs_hint = false} : vector<2000x128xf32>, vector<128x128xf32>, vector<2000x128xf32> -> vector<2000x128xf32>
    %get3A_6 = arith.constant 0 : index
    %get3A_7 = arith.constant 0 : index
    %get3A_8 = vector.load %arg3[%get3A_6, %get3A_7] : memref<1x128xf32, #tpu.memory_space<vmem>>, vector<1x128xf32>
    %add3A = vector.broadcast %get3A_8 : vector<1x128xf32> to vector<2000x128xf32>
    %add3A_9 = arith.addf %dot_general3A_5, %add3A : vector<2000x128xf32>
    %slice3A = vector.extract_strided_slice %add3A_9 {offsets = [0, 0], sizes = [2000, 1], strides = [1, 1]} : vector<2000x128xf32> to vector<2000x1xf32>
    %swap3A = arith.constant 0 : index
    %swap3A_10 = arith.constant 0 : index
    %swap3A_11 = vector.load %arg4[%swap3A, %swap3A_10] : memref<2000x1xf32, #tpu.memory_space<vmem>>, vector<2000x1xf32>
    tpu.vector_store %arg4[%swap3A, %swap3A_10], %slice3A {strides = array<i32>} : memref<2000x1xf32, #tpu.memory_space<vmem>>, vector<2000x1xf32>,
    %slice3A_12 = vector.extract_strided_slice %add3A_9 {offsets = [0, 1], sizes = [2000, 1], strides = [1, 1]} : vector<2000x128xf32> to vector<2000x1xf32>
    %swap3A_13 = arith.constant 0 : index
    %swap3A_14 = arith.constant 0 : index
    %swap3A_15 = vector.load %arg5[%swap3A_13, %swap3A_14] : memref<2000x1xf32, #tpu.memory_space<vmem>>, vector<2000x1xf32>
    tpu.vector_store %arg5[%swap3A_13, %swap3A_14], %slice3A_12 {strides = array<i32>} : memref<2000x1xf32, #tpu.memory_space<vmem>>, vector<2000x1xf32>,
    %slice3A_16 = vector.extract_strided_slice %add3A_9 {offsets = [0, 2], sizes = [2000, 1], strides = [1, 1]} : vector<2000x128xf32> to vector<2000x1xf32>
    %swap3A_17 = arith.constant 0 : index
    %swap3A_18 = arith.constant 0 : index
    %swap3A_19 = vector.load %arg6[%swap3A_17, %swap3A_18] : memref<2000x1xf32, #tpu.memory_space<vmem>>, vector<2000x1xf32>
    tpu.vector_store %arg6[%swap3A_17, %swap3A_18], %slice3A_16 {strides = array<i32>} : memref<2000x1xf32, #tpu.memory_space<vmem>>, vector<2000x1xf32>,
    %abs3A = math.absf %slice3A : vector<2000x1xf32>
    %reduce_max3A = vector.shape_cast %abs3A : vector<2000x1xf32> to vector<1x2000x1xf32>
    %reduce_max3A_20 = arith.constant dense<0xFF800000> : vector<1xf32>
    %reduce_max3A_21 = vector.multi_reduction <maximumf>, %reduce_max3A, %reduce_max3A_20 [1, 2] : vector<1x2000x1xf32> to vector<1xf32>
    %reduce_max3A_22 = vector.shape_cast %reduce_max3A_21 : vector<1xf32> to vector<1x1x1xf32>
    %reduce_max3A_23 = vector.extract %reduce_max3A_22[0, 0, 0] : f32 from vector<1x1x1xf32>
    %eq3A = arith.constant 0 : i32
    %eq3A_24 = arith.cmpi eq, %arg0, %eq3A : i32
    %convert_element_type3A = arith.extui %eq3A_24 : i1 to i32
    %cond3A = arith.constant 0 : i32
    %cond3A_25 = arith.cmpi ne, %convert_element_type3A, %cond3A : i32
    scf.if %cond3A_25 {
      %swap3A_30 = arith.constant 0 : index
      %swap3A_31 = arith.constant 0 : index
      %swap3A_32 = memref.load %arg7[%swap3A_30, %swap3A_31] : memref<1x1xf32, #tpu.memory_space<smem>>
      memref.store %reduce_max3A_23, %arg7[%swap3A_30, %swap3A_31] : memref<1x1xf32, #tpu.memory_space<smem>>
    } else {
    }
    %gt3A = arith.constant 0 : i32
    %gt3A_26 = arith.cmpi sgt, %arg0, %gt3A : i32
    %convert_element_type3A_27 = arith.extui %gt3A_26 : i1 to i32
    %cond3A_28 = arith.constant 0 : i32
    %cond3A_29 = arith.cmpi ne, %convert_element_type3A_27, %cond3A_28 : i32
    scf.if %cond3A_29 {
      %get3A_30 = arith.constant 0 : index
      %get3A_31 = arith.constant 0 : index
      %get3A_32 = memref.load %arg7[%get3A_30, %get3A_31] : memref<1x1xf32, #tpu.memory_space<smem>>
      %max3A = arith.maximumf %get3A_32, %reduce_max3A_23 : f32
      %swap3A_33 = arith.constant 0 : index
      %swap3A_34 = arith.constant 0 : index
      %swap3A_35 = memref.load %arg7[%swap3A_33, %swap3A_34] : memref<1x1xf32, #tpu.memory_space<smem>>
      memref.store %max3A, %arg7[%swap3A_33, %swap3A_34] : memref<1x1xf32, #tpu.memory_space<smem>>
    } else {
    }
    return
  }
  func.func @transform_0(%arg0: i32) -> (i32, i32) {
    %c0_i32 = arith.constant 0 : i32
    %c0_i32_0 = arith.constant 0 : i32
    return %arg0, %c0_i32 : i32, i32
  }
  func.func @transform_1(%arg0: i32) -> (i32, i32) {
    %c0_i32 = arith.constant 0 : i32
    %c0_i32_0 = arith.constant 0 : i32
    %c0_i32_1 = arith.constant 0 : i32
    return %c0_i32, %c0_i32_0 : i32, i32
  }
  func.func @transform_2(%arg0: i32) -> (i32, i32) {
    %c0_i32 = arith.constant 0 : i32
    %c0_i32_0 = arith.constant 0 : i32
    %c0_i32_1 = arith.constant 0 : i32
    return %c0_i32, %c0_i32_0 : i32, i32
  }
  func.func @transform_3(%arg0: i32) -> (i32, i32) {
    %c0_i32 = arith.constant 0 : i32
    %c0_i32_0 = arith.constant 0 : i32
    return %arg0, %c0_i32 : i32, i32
  }
  func.func @transform_4(%arg0: i32) -> (i32, i32) {
    %c0_i32 = arith.constant 0 : i32
    %c0_i32_0 = arith.constant 0 : i32
    return %arg0, %c0_i32 : i32, i32
  }
  func.func @transform_5(%arg0: i32) -> (i32, i32) {
    %c0_i32 = arith.constant 0 : i32
    %c0_i32_0 = arith.constant 0 : i32
    return %arg0, %c0_i32 : i32, i32
  }
  func.func @transform_6(%arg0: i32) -> (i32, i32) {
    %c0_i32 = arith.constant 0 : i32
    %c0_i32_0 = arith.constant 0 : i32
    %c0_i32_1 = arith.constant 0 : i32
    return %c0_i32, %c0_i32_0 : i32, i32
  }
}

module attributes {stable_mosaic.version = 14 : i64} {
  func.func @_stab_body(%arg0: i32, %arg1: memref<2048x1xf32, #tpu.memory_space<vmem>>, %arg2: memref<2048x1xf32, #tpu.memory_space<vmem>>, %arg3: memref<2048x1xf32, #tpu.memory_space<vmem>>, %arg4: memref<2048x1xf32, #tpu.memory_space<vmem>>, %arg5: memref<2048x1xf32, #tpu.memory_space<vmem>>, %arg6: memref<1x1xf32, #tpu.memory_space<smem>>, %arg7: memref<2048x1xf32, #tpu.memory_space<vmem>>) attributes {dimension_semantics = [#tpu.dimension_semantics<arbitrary>], iteration_bounds = array<i64: 49>, scalar_prefetch = 0 : i64, scratch_operands = 0 : i64, tpu.core_type = #tpu.core_type<tc>, window_params = [{transform_indices = @transform_0, window_bounds = array<i64: 2048, 1>}, {transform_indices = @transform_1, window_bounds = array<i64: 2048, 1>}, {transform_indices = @transform_2, window_bounds = array<i64: 2048, 1>}, {transform_indices = @transform_3, window_bounds = array<i64: 2048, 1>}, {transform_indices = @transform_4, window_bounds = array<i64: 2048, 1>}, {transform_indices = @transform_5, window_bounds = array<i64: 1, 1>}, {transform_indices = @transform_6, window_bounds = array<i64: 2048, 1>}]} {
    %get3A = arith.constant 0 : index
    %get3A_0 = arith.constant 0 : index
    %get3A_1 = vector.load %arg1[%get3A, %get3A_0] : memref<2048x1xf32, #tpu.memory_space<vmem>>, vector<2048x1xf32>
    %get3A_2 = arith.constant 0 : index
    %get3A_3 = arith.constant 0 : index
    %get3A_4 = vector.load %arg2[%get3A_2, %get3A_3] : memref<2048x1xf32, #tpu.memory_space<vmem>>, vector<2048x1xf32>
    %add3A = arith.addf %get3A_1, %get3A_4 : vector<2048x1xf32>
    %get3A_5 = arith.constant 0 : index
    %get3A_6 = arith.constant 0 : index
    %get3A_7 = vector.load %arg3[%get3A_5, %get3A_6] : memref<2048x1xf32, #tpu.memory_space<vmem>>, vector<2048x1xf32>
    %get3A_8 = arith.constant 0 : index
    %get3A_9 = arith.constant 0 : index
    %get3A_10 = vector.load %arg4[%get3A_8, %get3A_9] : memref<2048x1xf32, #tpu.memory_space<vmem>>, vector<2048x1xf32>
    %add3A_11 = arith.addf %get3A_7, %get3A_10 : vector<2048x1xf32>
    %get3A_12 = arith.constant 0 : index
    %get3A_13 = arith.constant 0 : index
    %get3A_14 = vector.load %arg5[%get3A_12, %get3A_13] : memref<2048x1xf32, #tpu.memory_space<vmem>>, vector<2048x1xf32>
    %ge3A = arith.constant 0.000000e+00 : f32
    %ge3A_15 = vector.broadcast %ge3A : f32 to vector<2048x1xf32>
    %ge3A_16 = arith.cmpf oge, %get3A_14, %ge3A_15 : vector<2048x1xf32>
    %log3A = math.log %add3A : vector<2048x1xf32>
    %mul3A = arith.mulf %get3A_14, %log3A : vector<2048x1xf32>
    %neg3A = arith.constant 0.000000e+00 : f32
    %neg3A_17 = vector.broadcast %neg3A : f32 to vector<2048x1xf32>
    %neg3A_18 = arith.subf %neg3A_17, %get3A_14 : vector<2048x1xf32>
    %log3A_19 = math.log %add3A_11 : vector<2048x1xf32>
    %mul3A_20 = arith.mulf %neg3A_18, %log3A_19 : vector<2048x1xf32>
    %select_n3A = arith.select %ge3A_16, %mul3A, %mul3A_20 : vector<2048x1xi1>, vector<2048x1xf32>
    %get3A_21 = arith.constant 0 : index
    %get3A_22 = arith.constant 0 : index
    %get3A_23 = memref.load %arg6[%get3A_21, %get3A_22] : memref<1x1xf32, #tpu.memory_space<smem>>
    %mul3A_24 = vector.broadcast %get3A_23 : f32 to vector<2048x1xf32>
    %mul3A_25 = arith.mulf %select_n3A, %mul3A_24 : vector<2048x1xf32>
    %gt3A = arith.constant 0.000000e+00 : f32
    %gt3A_26 = vector.broadcast %gt3A : f32 to vector<2048x1xf32>
    %gt3A_27 = arith.cmpf ogt, %add3A, %gt3A_26 : vector<2048x1xf32>
    %jit3A = arith.constant 0.000000e+00 : f32
    %broadcast_in_dim3A = vector.broadcast %jit3A : f32 to vector<2048x1xf32>
    %select_n3A_28 = arith.select %gt3A_27, %mul3A_25, %broadcast_in_dim3A : vector<2048x1xi1>, vector<2048x1xf32>
    %swap3A = arith.constant 0 : index
    %swap3A_29 = arith.constant 0 : index
    %swap3A_30 = vector.load %arg7[%swap3A, %swap3A_29] : memref<2048x1xf32, #tpu.memory_space<vmem>>, vector<2048x1xf32>
    tpu.vector_store %arg7[%swap3A, %swap3A_29], %select_n3A_28 {strides = array<i32>} : memref<2048x1xf32, #tpu.memory_space<vmem>>, vector<2048x1xf32>,
    return
  }
  func.func @transform_0(%arg0: i32) -> (i32, i32) {
    %c0_i32 = arith.constant 0 : i32
    %c0_i32_0 = arith.constant 0 : i32
    return %arg0, %c0_i32 : i32, i32
  }
  func.func @transform_1(%arg0: i32) -> (i32, i32) {
    %c0_i32 = arith.constant 0 : i32
    %c0_i32_0 = arith.constant 0 : i32
    return %arg0, %c0_i32 : i32, i32
  }
  func.func @transform_2(%arg0: i32) -> (i32, i32) {
    %c0_i32 = arith.constant 0 : i32
    %c0_i32_0 = arith.constant 0 : i32
    return %arg0, %c0_i32 : i32, i32
  }
  func.func @transform_3(%arg0: i32) -> (i32, i32) {
    %c0_i32 = arith.constant 0 : i32
    %c0_i32_0 = arith.constant 0 : i32
    return %arg0, %c0_i32 : i32, i32
  }
  func.func @transform_4(%arg0: i32) -> (i32, i32) {
    %c0_i32 = arith.constant 0 : i32
    %c0_i32_0 = arith.constant 0 : i32
    return %arg0, %c0_i32 : i32, i32
  }
  func.func @transform_5(%arg0: i32) -> (i32, i32) {
    %c0_i32 = arith.constant 0 : i32
    %c0_i32_0 = arith.constant 0 : i32
    %c0_i32_1 = arith.constant 0 : i32
    return %c0_i32, %c0_i32_0 : i32, i32
  }
  func.func @transform_6(%arg0: i32) -> (i32, i32) {
    %c0_i32 = arith.constant 0 : i32
    %c0_i32_0 = arith.constant 0 : i32
    return %arg0, %c0_i32 : i32, i32
  }
}

module attributes {stable_mosaic.version = 14 : i64} {
  func.func @_score_body(%arg0: i32, %arg1: memref<2048x1xf32, #tpu.memory_space<vmem>>, %arg2: memref<2048x1xf32, #tpu.memory_space<vmem>>, %arg3: memref<2048x1xf32, #tpu.memory_space<vmem>>, %arg4: memref<2048x1xf32, #tpu.memory_space<vmem>>, %arg5: memref<1x1xf32, #tpu.memory_space<smem>>, %arg6: memref<1x1xf32, #tpu.memory_space<smem>>, %arg7: memref<1x1xf32, #tpu.memory_space<smem>>, %arg8: memref<1x1xf32, #tpu.memory_space<smem>>, %arg9: memref<2048x1xf32, #tpu.memory_space<vmem>>, %arg10: memref<1x1xf32, #tpu.memory_space<smem>>) attributes {dimension_semantics = [#tpu.dimension_semantics<arbitrary>], iteration_bounds = array<i64: 49>, scalar_prefetch = 0 : i64, scratch_operands = 0 : i64, tpu.core_type = #tpu.core_type<tc>, window_params = [{transform_indices = @transform_0, window_bounds = array<i64: 2048, 1>}, {transform_indices = @transform_1, window_bounds = array<i64: 2048, 1>}, {transform_indices = @transform_2, window_bounds = array<i64: 2048, 1>}, {transform_indices = @transform_3, window_bounds = array<i64: 2048, 1>}, {transform_indices = @transform_4, window_bounds = array<i64: 1, 1>}, {transform_indices = @transform_5, window_bounds = array<i64: 1, 1>}, {transform_indices = @transform_6, window_bounds = array<i64: 1, 1>}, {transform_indices = @transform_7, window_bounds = array<i64: 1, 1>}, {transform_indices = @transform_8, window_bounds = array<i64: 2048, 1>}, {transform_indices = @transform_9, window_bounds = array<i64: 1, 1>}]} {
    %get3A = arith.constant 0 : index
    %get3A_0 = arith.constant 0 : index
    %get3A_1 = vector.load %arg1[%get3A, %get3A_0] : memref<2048x1xf32, #tpu.memory_space<vmem>>, vector<2048x1xf32>
    %get3A_2 = arith.constant 0 : index
    %get3A_3 = arith.constant 0 : index
    %get3A_4 = vector.load %arg2[%get3A_2, %get3A_3] : memref<2048x1xf32, #tpu.memory_space<vmem>>, vector<2048x1xf32>
    %add3A = arith.addf %get3A_1, %get3A_4 : vector<2048x1xf32>
    %get3A_5 = arith.constant 0 : index
    %get3A_6 = arith.constant 0 : index
    %get3A_7 = vector.load %arg3[%get3A_5, %get3A_6] : memref<2048x1xf32, #tpu.memory_space<vmem>>, vector<2048x1xf32>
    %get3A_8 = arith.constant 0 : index
    %get3A_9 = arith.constant 0 : index
    %get3A_10 = vector.load %arg4[%get3A_8, %get3A_9] : memref<2048x1xf32, #tpu.memory_space<vmem>>, vector<2048x1xf32>
    %add3A_11 = arith.addf %get3A_7, %get3A_10 : vector<2048x1xf32>
    %add3A_12 = arith.constant 1.000000e-16 : f32
    %add3A_13 = vector.broadcast %add3A_12 : f32 to vector<2048x1xf32>
    %add3A_14 = arith.addf %add3A, %add3A_13 : vector<2048x1xf32>
    %div3A = arith.divf %add3A_11, %add3A_14 : vector<2048x1xf32>
    %integer_pow3A = arith.mulf %div3A, %div3A : vector<2048x1xf32>
    %integer_pow3A_15 = arith.mulf %div3A, %integer_pow3A : vector<2048x1xf32>
    %mul3A = arith.constant 4.471500e-02 : f32
    %mul3A_16 = vector.broadcast %mul3A : f32 to vector<2048x1xf32>
    %mul3A_17 = arith.mulf %mul3A_16, %integer_pow3A_15 : vector<2048x1xf32>
    %add3A_18 = arith.addf %div3A, %mul3A_17 : vector<2048x1xf32>
    %mul3A_19 = arith.constant 0.797884583 : f32
    %mul3A_20 = vector.broadcast %mul3A_19 : f32 to vector<2048x1xf32>
    %mul3A_21 = arith.mulf %mul3A_20, %add3A_18 : vector<2048x1xf32>
    %tanh3A = math.tanh %mul3A_21 : vector<2048x1xf32>
    %add3A_22 = arith.constant 1.000000e+00 : f32
    %add3A_23 = vector.broadcast %add3A_22 : f32 to vector<2048x1xf32>
    %add3A_24 = arith.addf %add3A_23, %tanh3A : vector<2048x1xf32>
    %mul3A_25 = arith.constant 5.000000e-01 : f32
    %mul3A_26 = vector.broadcast %mul3A_25 : f32 to vector<2048x1xf32>
    %mul3A_27 = arith.mulf %mul3A_26, %add3A_24 : vector<2048x1xf32>
    %mul3A_28 = arith.mulf %div3A, %mul3A_27 : vector<2048x1xf32>
    %get3A_29 = arith.constant 0 : index
    %get3A_30 = arith.constant 0 : index
    %get3A_31 = memref.load %arg5[%get3A_29, %get3A_30] : memref<1x1xf32, #tpu.memory_space<smem>>
    %mul3A_32 = vector.broadcast %get3A_31 : f32 to vector<2048x1xf32>
    %mul3A_33 = arith.mulf %mul3A_28, %mul3A_32 : vector<2048x1xf32>
    %get3A_34 = arith.constant 0 : index
    %get3A_35 = arith.constant 0 : index
    %get3A_36 = memref.load %arg6[%get3A_34, %get3A_35] : memref<1x1xf32, #tpu.memory_space<smem>>
    %add3A_37 = vector.broadcast %get3A_36 : f32 to vector<2048x1xf32>
    %add3A_38 = arith.addf %mul3A_33, %add3A_37 : vector<2048x1xf32>
    %get3A_39 = arith.constant 0 : index
    %get3A_40 = arith.constant 0 : index
    %get3A_41 = memref.load %arg7[%get3A_39, %get3A_40] : memref<1x1xf32, #tpu.memory_space<smem>>
    %mul3A_42 = vector.broadcast %get3A_41 : f32 to vector<2048x1xf32>
    %mul3A_43 = arith.mulf %add3A_38, %mul3A_42 : vector<2048x1xf32>
    %get3A_44 = arith.constant 0 : index
    %get3A_45 = arith.constant 0 : index
    %get3A_46 = memref.load %arg8[%get3A_44, %get3A_45] : memref<1x1xf32, #tpu.memory_space<smem>>
    %add3A_47 = vector.broadcast %get3A_46 : f32 to vector<2048x1xf32>
    %add3A_48 = arith.addf %mul3A_43, %add3A_47 : vector<2048x1xf32>
    %iota3A = tpu.iota {dimensions = array<i32: 0>} : vector<2048x1xi32>
    %mul3A_49 = arith.constant 2048 : i32
    %mul3A_50 = arith.muli %arg0, %mul3A_49 : i32
    %add3A_51 = vector.broadcast %mul3A_50 : i32 to vector<2048x1xi32>
    %add3A_52 = arith.addi %iota3A, %add3A_51 : vector<2048x1xi32>
    %lt3A = arith.constant 100000 : i32
    %lt3A_53 = vector.broadcast %lt3A : i32 to vector<2048x1xi32>
    %lt3A_54 = arith.cmpi slt, %add3A_52, %lt3A_53 : vector<2048x1xi32>
    %jit3A = arith.constant -1.000000e+30 : f32
    %broadcast_in_dim3A = vector.broadcast %jit3A : f32 to vector<2048x1xf32>
    %select_n3A = arith.select %lt3A_54, %add3A_48, %broadcast_in_dim3A : vector<2048x1xi1>, vector<2048x1xf32>
    %swap3A = arith.constant 0 : index
    %swap3A_55 = arith.constant 0 : index
    %swap3A_56 = vector.load %arg9[%swap3A, %swap3A_55] : memref<2048x1xf32, #tpu.memory_space<vmem>>, vector<2048x1xf32>
    tpu.vector_store %arg9[%swap3A, %swap3A_55], %select_n3A {strides = array<i32>} : memref<2048x1xf32, #tpu.memory_space<vmem>>, vector<2048x1xf32>,
    %reduce_max3A = vector.shape_cast %select_n3A : vector<2048x1xf32> to vector<1x2048x1xf32>
    %reduce_max3A_57 = arith.constant dense<0xFF800000> : vector<1xf32>
    %reduce_max3A_58 = vector.multi_reduction <maximumf>, %reduce_max3A, %reduce_max3A_57 [1, 2] : vector<1x2048x1xf32> to vector<1xf32>
    %reduce_max3A_59 = vector.shape_cast %reduce_max3A_58 : vector<1xf32> to vector<1x1x1xf32>
    %reduce_max3A_60 = vector.extract %reduce_max3A_59[0, 0, 0] : f32 from vector<1x1x1xf32>
    %eq3A = arith.constant 0 : i32
    %eq3A_61 = arith.cmpi eq, %arg0, %eq3A : i32
    %convert_element_type3A = arith.extui %eq3A_61 : i1 to i32
    %cond3A = arith.constant 0 : i32
    %cond3A_62 = arith.cmpi ne, %convert_element_type3A, %cond3A : i32
    scf.if %cond3A_62 {
      %swap3A_67 = arith.constant 0 : index
      %swap3A_68 = arith.constant 0 : index
      %swap3A_69 = memref.load %arg10[%swap3A_67, %swap3A_68] : memref<1x1xf32, #tpu.memory_space<smem>>
      memref.store %reduce_max3A_60, %arg10[%swap3A_67, %swap3A_68] : memref<1x1xf32, #tpu.memory_space<smem>>
    } else {
    }
    %gt3A = arith.constant 0 : i32
    %gt3A_63 = arith.cmpi sgt, %arg0, %gt3A : i32
    %convert_element_type3A_64 = arith.extui %gt3A_63 : i1 to i32
    %cond3A_65 = arith.constant 0 : i32
    %cond3A_66 = arith.cmpi ne, %convert_element_type3A_64, %cond3A_65 : i32
    scf.if %cond3A_66 {
      %get3A_67 = arith.constant 0 : index
      %get3A_68 = arith.constant 0 : index
      %get3A_69 = memref.load %arg10[%get3A_67, %get3A_68] : memref<1x1xf32, #tpu.memory_space<smem>>
      %max3A = arith.maximumf %get3A_69, %reduce_max3A_60 : f32
      %swap3A_70 = arith.constant 0 : index
      %swap3A_71 = arith.constant 0 : index
      %swap3A_72 = memref.load %arg10[%swap3A_70, %swap3A_71] : memref<1x1xf32, #tpu.memory_space<smem>>
      memref.store %max3A, %arg10[%swap3A_70, %swap3A_71] : memref<1x1xf32, #tpu.memory_space<smem>>
    } else {
    }
    return
  }
  func.func @transform_0(%arg0: i32) -> (i32, i32) {
    %c0_i32 = arith.constant 0 : i32
    %c0_i32_0 = arith.constant 0 : i32
    return %arg0, %c0_i32 : i32, i32
  }
  func.func @transform_1(%arg0: i32) -> (i32, i32) {
    %c0_i32 = arith.constant 0 : i32
    %c0_i32_0 = arith.constant 0 : i32
    return %arg0, %c0_i32 : i32, i32
  }
  func.func @transform_2(%arg0: i32) -> (i32, i32) {
    %c0_i32 = arith.constant 0 : i32
    %c0_i32_0 = arith.constant 0 : i32
    return %arg0, %c0_i32 : i32, i32
  }
  func.func @transform_3(%arg0: i32) -> (i32, i32) {
    %c0_i32 = arith.constant 0 : i32
    %c0_i32_0 = arith.constant 0 : i32
    return %arg0, %c0_i32 : i32, i32
  }
  func.func @transform_4(%arg0: i32) -> (i32, i32) {
    %c0_i32 = arith.constant 0 : i32
    %c0_i32_0 = arith.constant 0 : i32
    %c0_i32_1 = arith.constant 0 : i32
    return %c0_i32, %c0_i32_0 : i32, i32
  }
  func.func @transform_5(%arg0: i32) -> (i32, i32) {
    %c0_i32 = arith.constant 0 : i32
    %c0_i32_0 = arith.constant 0 : i32
    %c0_i32_1 = arith.constant 0 : i32
    return %c0_i32, %c0_i32_0 : i32, i32
  }
  func.func @transform_6(%arg0: i32) -> (i32, i32) {
    %c0_i32 = arith.constant 0 : i32
    %c0_i32_0 = arith.constant 0 : i32
    %c0_i32_1 = arith.constant 0 : i32
    return %c0_i32, %c0_i32_0 : i32, i32
  }
  func.func @transform_7(%arg0: i32) -> (i32, i32) {
    %c0_i32 = arith.constant 0 : i32
    %c0_i32_0 = arith.constant 0 : i32
    %c0_i32_1 = arith.constant 0 : i32
    return %c0_i32, %c0_i32_0 : i32, i32
  }
  func.func @transform_8(%arg0: i32) -> (i32, i32) {
    %c0_i32 = arith.constant 0 : i32
    %c0_i32_0 = arith.constant 0 : i32
    return %arg0, %c0_i32 : i32, i32
  }
  func.func @transform_9(%arg0: i32) -> (i32, i32) {
    %c0_i32 = arith.constant 0 : i32
    %c0_i32_0 = arith.constant 0 : i32
    %c0_i32_1 = arith.constant 0 : i32
    return %c0_i32, %c0_i32_0 : i32, i32
  }
}

module attributes {stable_mosaic.version = 14 : i64} {
  func.func @_bsum_body(%arg0: i32, %arg1: memref<2048x1xf32, #tpu.memory_space<vmem>>, %arg2: memref<2048x1xi32, #tpu.memory_space<vmem>>, %arg3: memref<1x1xf32, #tpu.memory_space<smem>>, %arg4: memref<1x128xf32, #tpu.memory_space<vmem>>) attributes {dimension_semantics = [#tpu.dimension_semantics<arbitrary>], iteration_bounds = array<i64: 49>, scalar_prefetch = 0 : i64, scratch_operands = 0 : i64, tpu.core_type = #tpu.core_type<tc>, window_params = [{transform_indices = @transform_0, window_bounds = array<i64: 2048, 1>}, {transform_indices = @transform_1, window_bounds = array<i64: 2048, 1>}, {transform_indices = @transform_2, window_bounds = array<i64: 1, 1>}, {pipeline_mode = #tpu.pipeline_mode<synchronous>, transform_indices = @transform_3, window_bounds = array<i64: 1, 128>}]} {
    %get3A = arith.constant 0 : index
    %get3A_0 = arith.constant 0 : index
    %get3A_1 = vector.load %arg1[%get3A, %get3A_0] : memref<2048x1xf32, #tpu.memory_space<vmem>>, vector<2048x1xf32>
    %get3A_2 = arith.constant 0 : index
    %get3A_3 = arith.constant 0 : index
    %get3A_4 = memref.load %arg3[%get3A_2, %get3A_3] : memref<1x1xf32, #tpu.memory_space<smem>>
    %sub3A = vector.broadcast %get3A_4 : f32 to vector<2048x1xf32>
    %sub3A_5 = arith.subf %get3A_1, %sub3A : vector<2048x1xf32>
    %exp3A = math.exp %sub3A_5 : vector<2048x1xf32>
    %iota3A = tpu.iota {dimensions = array<i32: 1>} : vector<2048x128xi32>
    %get3A_6 = arith.constant 0 : index
    %get3A_7 = arith.constant 0 : index
    %get3A_8 = vector.load %arg2[%get3A_6, %get3A_7] : memref<2048x1xi32, #tpu.memory_space<vmem>>, vector<2048x1xi32>
    %eq3A = vector.broadcast %get3A_8 : vector<2048x1xi32> to vector<2048x128xi32>
    %eq3A_9 = arith.cmpi eq, %eq3A, %iota3A : vector<2048x128xi32>
    %convert_element_type3A = arith.extui %eq3A_9 : vector<2048x128xi1> to vector<2048x128xi32>
    %convert_element_type3A_10 = arith.sitofp %convert_element_type3A : vector<2048x128xi32> to vector<2048x128xf32>
    %dot_general3A = arith.constant dense<0.000000e+00> : vector<1x128xf32>
    %dot_general3A_11 = tpu.matmul %exp3A, %convert_element_type3A_10, %dot_general3A {dimension_numbers = #tpu.dot_dimension_numbers<[0], [0], [1], [1], [0, 1, 1, 1], [], []>, transpose_lhs_hint = false} : vector<2048x1xf32>, vector<2048x128xf32>, vector<1x128xf32> -> vector<1x128xf32>
    %eq3A_12 = arith.constant 0 : i32
    %eq3A_13 = arith.cmpi eq, %arg0, %eq3A_12 : i32
    %convert_element_type3A_14 = arith.extui %eq3A_13 : i1 to i32
    %cond3A = arith.constant 0 : i32
    %cond3A_15 = arith.cmpi ne, %convert_element_type3A_14, %cond3A : i32
    scf.if %cond3A_15 {
      %swap3A = arith.constant 0 : index
      %swap3A_20 = arith.constant 0 : index
      %swap3A_21 = vector.load %arg4[%swap3A, %swap3A_20] : memref<1x128xf32, #tpu.memory_space<vmem>>, vector<1x128xf32>
      tpu.vector_store %arg4[%swap3A, %swap3A_20], %dot_general3A_11 {strides = array<i32>} : memref<1x128xf32, #tpu.memory_space<vmem>>, vector<1x128xf32>,
    } else {
    }
    %gt3A = arith.constant 0 : i32
    %gt3A_16 = arith.cmpi sgt, %arg0, %gt3A : i32
    %convert_element_type3A_17 = arith.extui %gt3A_16 : i1 to i32
    %cond3A_18 = arith.constant 0 : i32
    %cond3A_19 = arith.cmpi ne, %convert_element_type3A_17, %cond3A_18 : i32
    scf.if %cond3A_19 {
      %get3A_20 = arith.constant 0 : index
      %get3A_21 = arith.constant 0 : index
      %get3A_22 = vector.load %arg4[%get3A_20, %get3A_21] : memref<1x128xf32, #tpu.memory_space<vmem>>, vector<1x128xf32>
      %add3A = arith.addf %get3A_22, %dot_general3A_11 : vector<1x128xf32>
      %swap3A = arith.constant 0 : index
      %swap3A_23 = arith.constant 0 : index
      %swap3A_24 = vector.load %arg4[%swap3A, %swap3A_23] : memref<1x128xf32, #tpu.memory_space<vmem>>, vector<1x128xf32>
      tpu.vector_store %arg4[%swap3A, %swap3A_23], %add3A {strides = array<i32>} : memref<1x128xf32, #tpu.memory_space<vmem>>, vector<1x128xf32>,
    } else {
    }
    return
  }
  func.func @transform_0(%arg0: i32) -> (i32, i32) {
    %c0_i32 = arith.constant 0 : i32
    %c0_i32_0 = arith.constant 0 : i32
    return %arg0, %c0_i32 : i32, i32
  }
  func.func @transform_1(%arg0: i32) -> (i32, i32) {
    %c0_i32 = arith.constant 0 : i32
    %c0_i32_0 = arith.constant 0 : i32
    return %arg0, %c0_i32 : i32, i32
  }
  func.func @transform_2(%arg0: i32) -> (i32, i32) {
    %c0_i32 = arith.constant 0 : i32
    %c0_i32_0 = arith.constant 0 : i32
    %c0_i32_1 = arith.constant 0 : i32
    return %c0_i32, %c0_i32_0 : i32, i32
  }
  func.func @transform_3(%arg0: i32) -> (i32, i32) {
    %c0_i32 = arith.constant 0 : i32
    %c0_i32_0 = arith.constant 0 : i32
    %c0_i32_1 = arith.constant 0 : i32
    return %c0_i32, %c0_i32_0 : i32, i32
  }
}

module attributes {stable_mosaic.version = 14 : i64} {
  func.func @_pool_body(%arg0: i32, %arg1: memref<2000x128xf32, #tpu.memory_space<vmem>>, %arg2: memref<2000x1xf32, #tpu.memory_space<vmem>>, %arg3: memref<2000x1xi32, #tpu.memory_space<vmem>>, %arg4: memref<1x128xf32, #tpu.memory_space<vmem>>, %arg5: memref<128x128xf32, #tpu.memory_space<vmem>>, %arg6: memref<1x128xf32, #tpu.memory_space<vmem>>) attributes {dimension_semantics = [#tpu.dimension_semantics<arbitrary>], iteration_bounds = array<i64: 50>, scalar_prefetch = 0 : i64, scratch_operands = 0 : i64, tpu.core_type = #tpu.core_type<tc>, window_params = [{transform_indices = @transform_0, window_bounds = array<i64: 2000, 128>}, {transform_indices = @transform_1, window_bounds = array<i64: 2000, 1>}, {transform_indices = @transform_2, window_bounds = array<i64: 2000, 1>}, {pipeline_mode = #tpu.pipeline_mode<synchronous>, transform_indices = @transform_3, window_bounds = array<i64: 1, 128>}, {pipeline_mode = #tpu.pipeline_mode<synchronous>, transform_indices = @transform_4, window_bounds = array<i64: 128, 128>}, {pipeline_mode = #tpu.pipeline_mode<synchronous>, transform_indices = @transform_5, window_bounds = array<i64: 1, 128>}]} {
    %iota3A = tpu.iota {dimensions = array<i32: 1>} : vector<2000x128xi32>
    %get3A = arith.constant 0 : index
    %get3A_0 = arith.constant 0 : index
    %get3A_1 = vector.load %arg3[%get3A, %get3A_0] : memref<2000x1xi32, #tpu.memory_space<vmem>>, vector<2000x1xi32>
    %eq3A = vector.broadcast %get3A_1 : vector<2000x1xi32> to vector<2000x128xi32>
    %eq3A_2 = arith.cmpi eq, %eq3A, %iota3A : vector<2000x128xi32>
    %convert_element_type3A = arith.extui %eq3A_2 : vector<2000x128xi1> to vector<2000x128xi32>
    %convert_element_type3A_3 = arith.sitofp %convert_element_type3A : vector<2000x128xi32> to vector<2000x128xf32>
    %get3A_4 = arith.constant 0 : index
    %get3A_5 = arith.constant 0 : index
    %get3A_6 = vector.load %arg4[%get3A_4, %get3A_5] : memref<1x128xf32, #tpu.memory_space<vmem>>, vector<1x128xf32>
    %dot_general3A = arith.constant dense<0.000000e+00> : vector<2000x1xf32>
    %dot_general3A_7 = tpu.matmul %convert_element_type3A_3, %get3A_6, %dot_general3A {dimension_numbers = #tpu.dot_dimension_numbers<[1], [1], [0], [0], [0, 0, 1, 0], [], []>, transpose_lhs_hint = false} : vector<2000x128xf32>, vector<1x128xf32>, vector<2000x1xf32> -> vector<2000x1xf32>
    %get3A_8 = arith.constant 0 : index
    %get3A_9 = arith.constant 0 : index
    %get3A_10 = vector.load %arg2[%get3A_8, %get3A_9] : memref<2000x1xf32, #tpu.memory_space<vmem>>, vector<2000x1xf32>
    %sub3A = arith.subf %get3A_10, %dot_general3A_7 : vector<2000x1xf32>
    %exp3A = math.exp %sub3A : vector<2000x1xf32>
    %mul3A = vector.broadcast %exp3A : vector<2000x1xf32> to vector<2000x128xf32>
    %mul3A_11 = arith.mulf %convert_element_type3A_3, %mul3A : vector<2000x128xf32>
    %get3A_12 = arith.constant 0 : index
    %get3A_13 = arith.constant 0 : index
    %get3A_14 = vector.load %arg1[%get3A_12, %get3A_13] : memref<2000x128xf32, #tpu.memory_space<vmem>>, vector<2000x128xf32>
    %dot_general3A_15 = arith.constant dense<0.000000e+00> : vector<128x128xf32>
    %dot_general3A_16 = tpu.matmul %mul3A_11, %get3A_14, %dot_general3A_15 {dimension_numbers = #tpu.dot_dimension_numbers<[0], [0], [1], [1], [0, 1, 1, 1], [], []>, transpose_lhs_hint = false} : vector<2000x128xf32>, vector<2000x128xf32>, vector<128x128xf32> -> vector<128x128xf32>
    %reduce_sum3A = arith.constant dense<0.000000e+00> : vector<128xf32>
    %reduce_sum3A_17 = vector.multi_reduction <add>, %mul3A_11, %reduce_sum3A [0] : vector<2000x128xf32> to vector<128xf32>
    %broadcast_in_dim3A = vector.shape_cast %reduce_sum3A_17 : vector<128xf32> to vector<1x128xf32>
    %eq3A_18 = arith.constant 0 : i32
    %eq3A_19 = arith.cmpi eq, %arg0, %eq3A_18 : i32
    %convert_element_type3A_20 = arith.extui %eq3A_19 : i1 to i32
    %cond3A = arith.constant 0 : i32
    %cond3A_21 = arith.cmpi ne, %convert_element_type3A_20, %cond3A : i32
    scf.if %cond3A_21 {
      %swap3A = arith.constant 0 : index
      %swap3A_26 = arith.constant 0 : index
      %swap3A_27 = vector.load %arg5[%swap3A, %swap3A_26] : memref<128x128xf32, #tpu.memory_space<vmem>>, vector<128x128xf32>
      tpu.vector_store %arg5[%swap3A, %swap3A_26], %dot_general3A_16 {strides = array<i32>} : memref<128x128xf32, #tpu.memory_space<vmem>>, vector<128x128xf32>,
      %swap3A_28 = arith.constant 0 : index
      %swap3A_29 = arith.constant 0 : index
      %swap3A_30 = vector.load %arg6[%swap3A_28, %swap3A_29] : memref<1x128xf32, #tpu.memory_space<vmem>>, vector<1x128xf32>
      tpu.vector_store %arg6[%swap3A_28, %swap3A_29], %broadcast_in_dim3A {strides = array<i32>} : memref<1x128xf32, #tpu.memory_space<vmem>>, vector<1x128xf32>,
    } else {
    }
    %gt3A = arith.constant 0 : i32
    %gt3A_22 = arith.cmpi sgt, %arg0, %gt3A : i32
    %convert_element_type3A_23 = arith.extui %gt3A_22 : i1 to i32
    %cond3A_24 = arith.constant 0 : i32
    %cond3A_25 = arith.cmpi ne, %convert_element_type3A_23, %cond3A_24 : i32
    scf.if %cond3A_25 {
      %get3A_26 = arith.constant 0 : index
      %get3A_27 = arith.constant 0 : index
      %get3A_28 = vector.load %arg5[%get3A_26, %get3A_27] : memref<128x128xf32, #tpu.memory_space<vmem>>, vector<128x128xf32>
      %add3A = arith.addf %get3A_28, %dot_general3A_16 : vector<128x128xf32>
      %swap3A = arith.constant 0 : index
      %swap3A_29 = arith.constant 0 : index
      %swap3A_30 = vector.load %arg5[%swap3A, %swap3A_29] : memref<128x128xf32, #tpu.memory_space<vmem>>, vector<128x128xf32>
      tpu.vector_store %arg5[%swap3A, %swap3A_29], %add3A {strides = array<i32>} : memref<128x128xf32, #tpu.memory_space<vmem>>, vector<128x128xf32>,
      %get3A_31 = arith.constant 0 : index
      %get3A_32 = arith.constant 0 : index
      %get3A_33 = vector.load %arg6[%get3A_31, %get3A_32] : memref<1x128xf32, #tpu.memory_space<vmem>>, vector<1x128xf32>
      %add3A_34 = arith.addf %get3A_33, %broadcast_in_dim3A : vector<1x128xf32>
      %swap3A_35 = arith.constant 0 : index
      %swap3A_36 = arith.constant 0 : index
      %swap3A_37 = vector.load %arg6[%swap3A_35, %swap3A_36] : memref<1x128xf32, #tpu.memory_space<vmem>>, vector<1x128xf32>
      tpu.vector_store %arg6[%swap3A_35, %swap3A_36], %add3A_34 {strides = array<i32>} : memref<1x128xf32, #tpu.memory_space<vmem>>, vector<1x128xf32>,
    } else {
    }
    return
  }
  func.func @transform_0(%arg0: i32) -> (i32, i32) {
    %c0_i32 = arith.constant 0 : i32
    %c0_i32_0 = arith.constant 0 : i32
    return %arg0, %c0_i32 : i32, i32
  }
  func.func @transform_1(%arg0: i32) -> (i32, i32) {
    %c0_i32 = arith.constant 0 : i32
    %c0_i32_0 = arith.constant 0 : i32
    return %arg0, %c0_i32 : i32, i32
  }
  func.func @transform_2(%arg0: i32) -> (i32, i32) {
    %c0_i32 = arith.constant 0 : i32
    %c0_i32_0 = arith.constant 0 : i32
    return %arg0, %c0_i32 : i32, i32
  }
  func.func @transform_3(%arg0: i32) -> (i32, i32) {
    %c0_i32 = arith.constant 0 : i32
    %c0_i32_0 = arith.constant 0 : i32
    %c0_i32_1 = arith.constant 0 : i32
    return %c0_i32, %c0_i32_0 : i32, i32
  }
  func.func @transform_4(%arg0: i32) -> (i32, i32) {
    %c0_i32 = arith.constant 0 : i32
    %c0_i32_0 = arith.constant 0 : i32
    %c0_i32_1 = arith.constant 0 : i32
    return %c0_i32, %c0_i32_0 : i32, i32
  }
  func.func @transform_5(%arg0: i32) -> (i32, i32) {
    %c0_i32 = arith.constant 0 : i32
    %c0_i32_0 = arith.constant 0 : i32
    %c0_i32_1 = arith.constant 0 : i32
    return %c0_i32, %c0_i32_0 : i32, i32
  }
}

</mosaic_0001>

<sc_bundles>
// kernel: kernel.12.cloned.1.call-start
scs
__scs_entry_jumppad:
0x0: {  	(pc) =	sbr.rel $0x88, $3  }
0x1: {  	(tag) =	ssettag $0x0;
	lr =	simm.s32 $0x1  }
0x2: {  	[smem:$0x3F91] =	sst lr;
	_ =	strace $0xD0000000  }
0x3: {  	_ = 	snop  }
0x4: {  	_ = 	snop  }
0x5: {  	_ = 	snop  }
0x6: {  	_ = 	snop  }
0x7: {  	_ = 	snop  }
__scs_overlays_trampoline_lowered:
0x8: {  	[smem:$0x3FA0] =	sst s0  }
0x9: {  	[smem:$0x3FA1] =	sst s1  }
0xa: {  	[smem:$0x3FA2] =	sst s2  }
0xb: {  	[smem:$0x3FA3] =	sst s3  }
0xc: {  	[smem:$0x3FA4] =	sst s4  }
0xd: {  	[smem:$0x3FA5] =	sst s5  }
0xe: {  	[smem:$0x3FA6] =	sst s6  }
0xf: {  	[smem:$0x3FA7] =	sst s7  }
0x10: {  	[smem:$0x3FA8] =	sst s8  }
0x11: {  	[smem:$0x3FA9] =	sst s9;
	s0 =	simm.s32 @!p0 $0x0  }
0x12: {  	s1 =	sld [smem:$0x3F8F];
	s0 =	simm.s32 @p0 $0x1  }
0x13: {  	[smem:$0x3FAA] =	sst s0;
	s0 =	simm.s32 @!p1 $0x0  }
0x14: {  	s2 =	sld [smem:$0x3F8E];
	s0 =	simm.s32 @p1 $0x1  }
0x15: {  	[smem:$0x3FAB] =	sst s0;
	s0 =	simm.s32 @!p2 $0x0  }
0x16: {  	s3 =	sld [smem:$0x3FDB];
	s0 =	simm.s32 @p2 $0x1  }
0x17: {  	s4 =	simm.s32 $0x1BF5;
	[smem:$0x3FAD] =	sst s0  }
0x18: {  	s0 =	sld [smem:$0x3F90];
	_ =	swait.ge [sflag:s4], $0x0  }
0x19: {  	s7 =	sld [smem:$0x3F91]  }
0x1a: {  	s8 =	sadd.s32 $0xFFFFE003, lr  }
0x1b: {  	s9 =	sadd.s32 $0xFFFFFEF7, lr;
	s5 =	simm.s32 $0xFFFFFFFF;
	p2 =	slt.u32 s8, $0xFFFFF086  }
0x1c: {  	p1 =	slt.u32 s9, $0xF7A;
	s5 =	simm.s32 @!p2 $0x0  }
0x1d: {  	s5 =	simm.s32 @p1 $0x1;
	p0 =	seq.s32 s7, s2  }
0x1e: {  	s7 =	smul.u32 @!p0 $0xF7A, s2;
	p2 =	seq.s32 @!p0 s5, $0x0  }
0x1f: {  	s9 =	smul.u32 $0xF7A, s1;
	s8 =	simm.s32 @!p0 $0x1BF5;
	p2 =	por !p2, p0  }
0x20: {  	[sflag:s8] =	ssyncset.s32 @!p0 $0xFFFFF086;
	s6 =	sadd.s32 @!p0 s3, s7;
	s7 =	simm.s32 @!p0 $0x108  }
0x21: {  	s3 =	sadd.s32 s3, s9;
	s6 =	sadd.s32 @!p0 $0x88, s6;
	s7 =	simm.s32 @p2 $0x1082  }
0x22: {  	[simem:s7], [sflag:s8] =	dma.local @!p0 [hbm:s6], $0xF7A  }
0x23: {  	s9 =	sor.u32 $0xD0000000, s2;
	s6 =	simm.s32 $0x108;
	_ =	swait.ge @!p0 [sflag:s8], $0x0  }
0x24: {  	s3 =	sadd.s32 $0x88, s3;
	s6 =	simm.s32 @!p1 $0x1082;
	[sflag:s4] =	ssyncset.s32 $0xFFFFF086  }
0x25: {  	[simem:s6], [sflag:s4] =	dma.local [hbm:s3], $0xF7A  }
0x26: {  	[smem:$0x3F91] =	sst s1;
	(tag) =	ssettag s2;
	_ =	strace s9  }
0x27: {  	s1 =	sld [smem:$0x3FA1]  }
0x28: {  	s2 =	sld [smem:$0x3FA2]  }
0x29: {  	s4 =	sld [smem:$0x3FA4]  }
0x2a: {  	p0 =	seq.s32 s5, $0x0;
	s5 =	sld [smem:$0x3FA5]  }
0x2b: {  	s6 =	sld [smem:$0x3FA6]  }
0x2c: {  	s7 =	sld [smem:$0x3FA7]  }
0x2d: {  	s3 =	simm.s32 $0x108;
	s8 =	sld [smem:$0x3FA8]  }
0x2e: {  	s3 =	simm.s32 @!p0 $0x1082;
	s9 =	sld [smem:$0x3FA9]  }
0x2f: {  	lr =	sadd.s32 s0, s3;
	s0 =	sld [smem:$0x3FA0]  }
0x30: {  	s3 =	sld [smem:$0x3FA3]  }
0x31: {  	[smem:$0x3FAC] =	sst s10  }
0x32: {  	s10 =	sld [smem:$0x3FAA];
	_ =	sdelay $0x3  }
0x33: {  	p0 =	seq.s32 s10, $0x1;
	s10 =	sld [smem:$0x3FAC];
	_ =	sdelay $0x3  }
0x34: {  	[smem:$0x3FAC] =	sst s10  }
0x35: {  	s10 =	sld [smem:$0x3FAB];
	_ =	sdelay $0x3  }
0x36: {  	p1 =	seq.s32 s10, $0x1;
	s10 =	sld [smem:$0x3FAC];
	_ =	sdelay $0x3  }
0x37: {  	[smem:$0x3FAC] =	sst s10  }
0x38: {  	s10 =	sld [smem:$0x3FAD]  }
0x39: {  	_ = 	snop;
	(pc) =	sbr.ind lr, $3  }
0x3a: {  	_ = 	snop  }
0x3b: {  	_ = 	snop  }
0x3c: {  	p2 =	seq.s32 s10, $0x1;
	s10 =	sld [smem:$0x3FAC]  }
0x3d: {  	_ =	shalt  }
0x3e: {  	_ =	shalt  }
0x3f: {  	_ =	shalt  }
0x40: {  	_ =	shalt  }
0x41: {  	_ =	shalt  }
0x42: {  	_ =	shalt  }
0x43: {  	_ =	shalt  }
0x44: {  	_ =	shalt  }
0x45: {  	_ =	shalt  }
0x46: {  	_ =	shalt  }
0x47: {  	_ =	shalt  }
0x48: {  	_ =	shalt  }
0x49: {  	_ =	shalt  }
0x4a: {  	_ =	shalt  }
0x4b: {  	_ =	shalt  }
0x4c: {  	_ =	shalt  }
0x4d: {  	_ =	shalt  }
0x4e: {  	_ =	shalt  }
0x4f: {  	_ =	shalt  }
0x50: {  	_ =	shalt  }
0x51: {  	_ =	shalt  }
0x52: {  	_ =	shalt  }
0x53: {  	_ =	shalt  }
0x54: {  	_ =	shalt  }
0x55: {  	_ =	shalt  }
0x56: {  	_ =	shalt  }
0x57: {  	_ =	shalt  }
0x58: {  	_ =	shalt  }
0x59: {  	_ =	shalt  }
0x5a: {  	_ =	shalt  }
0x5b: {  	_ =	shalt  }
0x5c: {  	_ =	shalt  }
0x5d: {  	_ =	shalt  }
0x5e: {  	_ =	shalt  }
0x5f: {  	_ =	shalt  }
0x60: {  	_ =	shalt  }
0x61: {  	_ =	shalt  }
0x62: {  	_ =	shalt  }
0x63: {  	_ =	shalt  }
0x64: {  	_ =	shalt  }
0x65: {  	_ =	shalt  }
0x66: {  	_ =	shalt  }
0x67: {  	_ =	shalt  }
0x68: {  	_ =	shalt  }
0x69: {  	_ =	shalt  }
0x6a: {  	_ =	shalt  }
0x6b: {  	_ =	shalt  }
0x6c: {  	_ =	shalt  }
0x6d: {  	_ =	shalt  }
0x6e: {  	_ =	shalt  }
0x6f: {  	_ =	shalt  }
0x70: {  	_ =	shalt  }
0x71: {  	_ =	shalt  }
0x72: {  	_ =	shalt  }
0x73: {  	_ =	shalt  }
0x74: {  	_ =	shalt  }
0x75: {  	_ =	shalt  }
0x76: {  	_ =	shalt  }
0x77: {  	_ =	shalt  }
0x78: {  	_ =	shalt  }
0x79: {  	_ =	shalt  }
0x7a: {  	_ =	shalt  }
0x7b: {  	_ =	shalt  }
0x7c: {  	_ =	shalt  }
0x7d: {  	_ =	shalt  }
0x7e: {  	_ =	shalt  }
0x7f: {  	_ =	shalt  }
0x80: {  	_ =	shalt  }
0x81: {  	_ =	shalt  }
0x82: {  	_ =	shalt  }
0x83: {  	_ =	shalt  }
0x84: {  	_ =	shalt  }
0x85: {  	_ =	shalt  }
0x86: {  	_ =	shalt  }
0x87: {  	_ =	shalt  }
.Lfunc_end0:
.L_simem_size_0:
called_computation.1_lowered:
.L_overlay_start_0:
0x88: {  	s2 =	sld [smem:$0x3FD9]  }
0x89: {  	s3 =	sld [smem:$0x3FFE];
	_ =	sdelay $0x1  }
0x8a: {  	s1 =	srdreg.scid  }
0x8b: {  	s0 =	sand.u32 $0x1, s1  }
0x8c: {  	s17 =	sshll.u32 s0, $0xA;
	s2 =	sadd.s32 s3, s2  }
0x8d: {  	s2 =	sadd.s32 s2, s17  }
0x8e: {  	[smem:$0x3FB8] =	sst s2  }
0x8f: {  	_ = 	snop  }
0x90: {  	s2 =	sld [smem:$0x3FD0];
	(tm) =	ssettm $0x1  }
0x91: {  	s18 =	sld [smem:$0x3FFB];
	_ =	sdelay $0x3  }
0x92: {  	_ =	strace s18  }
0x93: {  	s3 =	sld [smem:$0x3FFC];
	_ =	sdelay $0x3  }
0x94: {  	_ =	strace s3  }
0x95: {  	s3 =	sld [smem:$0x3FFD];
	_ =	sdelay $0x3  }
0x96: {  	_ =	strace s3  }
0x97: {  	_ =	strace $0x8FFFFFFF  }
0x98: {  	s19 =	sld [smem:$0x3FDB];
	_ =	sdelay $0x1  }
0x99: {  	s4 =	simm.s32 $_scs_section_size  }
0x9a: {  	s5 =	simm.s32 $_size__tile_overlayer_lowered;
	s6 =	simm.s32 $_tile_overlayer_lowered  }
0x9b: {  	s22 =	simm.s32 $0x1BFF;
	s21 =	sshll.u32 s6, $0x1;
	s3 =	sadd.s32 s4, s19  }
0x9c: {  	s7 =	simm.s32 $0x0;
	s20 =	sshll.u32 s5, $0x1;
	s5 =	sadd.s32 s21, s3  }
0x9d: {  	[timem:s7], [sflag:s22] =	dma.local [hbm:s5], s20  }
0x9e: {  	_ =	swait.ge [sflag:s22], s20  }
0x9f: {  	s4 =	ssub.s32 $0x0, s20;
	[sflag:s22] =	ssyncset.done $0x0  }
0xa0: {  	[sflag:s22] =	ssyncadd.s32 s4;
	_ =	sdelay $0x1  }
0xa1: {  	s23 =	simm.s32 $0x1B8B  }
0xa2: {  	_ =	swait.ge [sflag:s23], $0x1  }
0xa3: {  	[sflag:s23] =	ssyncset.done $0x0  }
0xa4: {  	s25 =	simm.s32 $0x1B8E;
	s24 =	sld [smem:$0x3FFE];
	[sflag:s23] =	ssyncadd.s32 $0xFFFFFFFF  }
0xa5: {  	s26 =	simm.s32 $execute0_lowered;
	[smem:$0x3FD2] =	sst s25  }
0xa6: {  	s5 =	sshll.u32 s26, $0x1;
	_ =	strace $0x80000049;
	[dreg:$0x1] =	wrdreg $0xFFFFFFFF  }
0xa7: {  	s28 =	simm.s32 $_size_execute0_lowered;
	s3 =	sadd.s32 s3, s5;
	[dreg:$0x0] =	wrdreg $0x0  }
0xa8: {  	s5 =	sshll.u32 s28, $0x1;
	[dreg:$0x2] =	wrdreg s3  }
0xa9: {  	[dreg:$0x3] =	wrdreg s5  }
0xaa: {  	[dreg:$0x4] =	wrdreg $0xC0  }
0xab: {  	_ =	task [dreg:s7], $0x5FFFF  }
0xac: {  	[dreg:$0x1] =	wrdreg $0xFFFFFFFF  }
0xad: {  	[dreg:$0x0] =	wrdreg $0x60  }
0xae: {  	[dreg:$0x2] =	wrdreg s24  }
0xaf: {  	[dreg:$0x3] =	wrdreg s2  }
0xb0: {  	[dreg:$0x4] =	wrdreg $0xE0000  }
0xb1: {  	[dreg:$0x5] =	wrdreg $0xF8800  }
0xb2: {  	[dreg:$0x6] =	wrdreg $0x9  }
0xb3: {  	_ =	task.clear_ibuf [dreg:s7], $0x7FFFF;
	_ =	strace $0x90000049  }
0xb4: {  	s29 =	simm.s32 $0x9;
	_ =	strace $0x8000004B  }
0xb5: {  	_ =	swait.ge [sflag:s29], $0x1  }
0xb6: {  	[sflag:s29] =	ssyncadd.s32 $0xFFFFFFFF  }
0xb7: {  	_ =	strace $0x9000004B  }
0xb8: {  	_ =	sfence  }
0xb9: {  	s30 =	sld [smem:$0x0];
	_ =	sdelay $0x2  }
0xba: {  	s31 =	sshll.u32 s1, $0xD;
	s1 =	sshrl.u32 s1, $0x2  }
0xbb: {  	s3 =	sand.u32 $0x4000, s31;
	s1 =	sadd.s32 s1, s30  }
0xbc: {  	s0 =	sor.u32 s3, s0;
	s1 =	sshll.u32 s1, $0x11  }
0xbd: {  	s0 =	sor.u32 s1, s0  }
0xbe: {  	s0 =	sadd.s32 $0x8F2B, s0  }
0xbf: {  	[sflag:s0] =	ssyncadd.remote.s32 $0x1  }
0xc0: {  	_ =	sfence.sel $0xFFFF  }
0xc1: {  	[dreg:$0x0] =	wrdreg $0xFFFFFFFF;
	(pc) =	sbr.abs _section_cstart, $3  }
0xc2: {  	[dreg:$0x1] =	wrdreg $0xFFFFFFFF  }
0xc3: {  	_ =	task.clear_ibuf [dreg:s7], $0x2FFFF;
	_ =	strace $0x9FFFFFFF  }
0xc4: {  	(tm) =	ssettm $0x7FFFFFFF  }
0xc5: {  	_ =	shalt  }
tec
execute0_lowered:
.L_overlay_start_1:
0x0: {  	(tag) =	ssettag $0x1  }
0x1: {  	s0 =	rddreg [dreg:$0x0]  }
0x2: {  	s2 =	rddreg [dreg:$0x2]  }
0x3: {  	s3 =	rddreg [dreg:$0x3]  }
0x4: {  	s4 =	simm.s32 $0x0;
	s1 =	srdreg.scid;
	s15 =	stileid.u32  }
0x5: {  	s18 =	simm.s32 $0x1;
	s20 =	simm.s32 $0x1C00;
	s21 =	simm.s32 $0x3800  }
0x6: {  	s22 =	simm.s32 $0x5400;
	s23 =	simm.s32 $0x7000;
	s24 =	simm.s32 $0x8C00  }
0x7: {  	s28 =	simm.s32 $0x20;
	s29 =	simm.s32 $0x10;
	[smem:$0x7FF] =	sst s4  }
0x8: {  	s1 =	sand.u32 $0x1, s1;
	s6 =	sadd.s32 $0x1000, s0;
	s7 =	sadd.s32 $0x63000, s0  }
0x9: {  	s12 =	smul.u32 $0x3100, s15;
	s8 =	sadd.s32 $0x558E00, s0;
	s9 =	sadd.s32 $0xD4600, s0  }
0xa: {  	s10 =	sadd.s32 $0xD1400, s0;
	s11 =	sadd.s32 $0xC5000, s0;
	s14 =	smul.u32 $0x1880, s15  }
0xb: {  	s30 =	sshll.u32 s15, $0x6;
	s5 =	smul.u32 $0x31000, s1;
	s25 =	ssub.s32 $0x2, s1  }
0xc: {  	_ =	strace $0x8000004A;
	s1 =	sshll.u32 s1, $0x4;
	s13 =	sshrl.u32 s25, $0x1  }
0xd: {  	s1 =	sor.u32 s15, s1;
	s17 =	sadd.s32 s14, s2;
	s5 =	sadd.s32 s12, s5  }
0xe: {  	s14 =	sadd.s32 s14, s3;
	s26 =	ssub.s32 s25, s13;
	s5 =	sshrl.u32 s5, $0x3  }
0xf: {  	s12 =	sor.u32 $0x1C01, s30;
	s13 =	smul.u32 $0x18800, s1;
	s0 =	sadd.s32 s5, s0  }
0x10: {  	s17 =	sshrl.u32 s17, $0x3;
	s19 =	sshrl.u32 s14, $0x3;
	s31 =	sadd.s32 $0xD7800, s0  }
0x11: {  	s25 =	simm.s32 $0xA800;
	s0 =	sadd.s32 $0xD7810, s0;
	[dreg:$0x5] =	wrdreg s31  }
0x12: {  	s16 =	smax.u32 s26, $0x1;
	s26 =	simm.s32 $0xC400;
	[dreg:$0x6] =	wrdreg s0  }
.LBB2_1:
0x13: {  	s0 =	rddreg [dreg:$0x1]  }
0x14: {  	[spmem:s17], [sflag:s12] =	dma.local [hbm:s0], $0x310  }
0x15: {  	_ =	swait.ge [sflag:s18], $0x310  }
0x16: {  	[sflag:s18] =	ssyncset.done $0x0  }
0x17: {  	[sflag:s18] =	ssyncadd.s32 $0xFFFFFCF0  }
0x18: {  	[spmem:s19], [sflag:s12] =	dma.local [hbm:s0], $0x310  }
0x19: {  	_ =	swait.ge [sflag:s18], $0x310  }
0x1a: {  	[sflag:s18] =	ssyncset.done $0x0  }
0x1b: {  	[sflag:s18] =	ssyncadd.s32 $0xFFFFFCF0  }
0x1c: {  	s30 =	simm.s32 $0x0;
	[bflag:$0x0] =	sbarrier.arrive $0xFFFF  }
.LBB2_2:
0x1d: {  	s0 =	smul.u32 $0x1C00, s30;
	_ =	sdelay $0x1  }
0x1e: {  	s0 =	sadd.s32 s13, s0  }
0x1f: {  	s0 =	sshrl.u32 s0, $0x3  }
0x20: {  	s5 =	simm.s32 $0x0;
	s1 =	sadd.s32 s6, s0  }
0x21: {  	[tilespmem:s5], [sflag:$0x1] =	stream.linear.gather [hbm4b:s1+s5], $0x1C00, $0x38;
	[tilespmem:$0x11100] =	vst v63  }
0x22: {  	_ =	swait.ge [sflag:s18], $0x1C00  }
0x23: {  	[sflag:s18] =	ssyncset.done $0x0  }
0x24: {  	s0 =	sadd.s32 s7, s0;
	[sflag:s18] =	ssyncadd.s32 $0xFFFFE400  }
0x25: {  	[tilespmem:s20], [sflag:$0x1] =	stream.linear.gather [hbm4b:s0+s5], $0x1C00, $0x38;
	[tilespmem:$0x11100] =	vst v63  }
0x26: {  	_ =	swait.ge [sflag:s18], $0x1C00  }
0x27: {  	[sflag:s18] =	ssyncset.done $0x0  }
0x28: {  	[sflag:s18] =	ssyncadd.s32 $0xFFFFE400  }
0x29: {  	[tilespmem:s21], [sflag:$0x1] =	stream.indirect.gather [hbm4b:s8+s20], $0x1, s5, s20, $0xb8;
	[tilespmem:$0x11100] =	vst v63  }
0x2a: {  	_ =	swait.ge [sflag:s18], $0x1C00  }
0x2b: {  	[sflag:s18] =	ssyncset.done $0x0  }
0x2c: {  	[sflag:s18] =	ssyncadd.s32 $0xFFFFE400  }
0x2d: {  	[tilespmem:s22], [sflag:$0x1] =	stream.indirect.gather [hbm4b:s9+s20], $0x1, s5, s20, $0xb8;
	[tilespmem:$0x11100] =	vst v63  }
0x2e: {  	_ =	swait.ge [sflag:s18], $0x1C00  }
0x2f: {  	[sflag:s18] =	ssyncset.done $0x0  }
0x30: {  	[sflag:s18] =	ssyncadd.s32 $0xFFFFE400  }
0x31: {  	[tilespmem:s23], [sflag:$0x1] =	stream.indirect.gather [hbm4b:s10+s20], $0x1, s20, s20, $0xb8;
	[tilespmem:$0x11100] =	vst v63  }
0x32: {  	_ =	swait.ge [sflag:s18], $0x1C00  }
0x33: {  	[sflag:s18] =	ssyncset.done $0x0  }
0x34: {  	[sflag:s18] =	ssyncadd.s32 $0xFFFFE400  }
0x35: {  	[tilespmem:s24], [sflag:$0x1] =	stream.indirect.gather [hbm4b:s11+s20], $0x1, s20, s20, $0xb8;
	[tilespmem:$0x11100] =	vst v63  }
0x36: {  	_ =	swait.ge [sflag:s18], $0x1C00  }
0x37: {  	[sflag:s18] =	ssyncset.done $0x0  }
0x38: {  	s5 =	simm.s32 $0x0;
	[sflag:s18] =	ssyncadd.s32 $0xFFFFE400  }
0x39: {  	v0 =	vld [tilespmem:s5+$0x7000]  }
0x3a: {  	v1 =	vld [tilespmem:s5+$0x3800];
	_ =	sdelay $0x1  }
0x3b: {  	v2 =	vld [tilespmem:s5+$0x8C00];
	_ =	sdelay $0x2  }
0x3c: {  	s31 =	simm.s32 $0x10;
	v0 =	vmul.f32 v1, v0  }
0x3d: {  	v1 =	vld [tilespmem:s31+$0x7000]  }
0x3e: {  	v0 =	vsub.f32 v0, v2;
	v2 =	vld [tilespmem:s31+$0x3800];
	_ =	sdelay $0x1  }
0x3f: {  	v3 =	vld [tilespmem:s31+$0x8C00]  }
0x40: {  	v0 =	vmul.f32 $1.442695020e+00, v0  }
0x41: {  	s0 =	simm.s32 $0x20  }
0x42: {  	v4 =	vld [tilespmem:s0+$0x7000];
	(erf) = vpow2.f32 v0;
	v1 =	vmul.f32 v2, v1  }
0x43: {  	v0 =	vld [tilespmem:s0+$0x3800]  }
0x44: {  	v1 =	vsub.f32 v1, v3  }
0x45: {  	v5 =	vld [tilespmem:s0+$0x8C00]  }
0x46: {  	v1 =	vmul.f32 $1.442695020e+00, v1  }
0x47: {  	s1 =	simm.s32 $0x30;
	v3 =	vld [tilespmem:s5+$0x5400]  }
0x48: {  	v2 =	vld [tilespmem:s1+$0x3800];
	v4 =	vmul.f32 v0, v4;
	(erf) = vpow2.f32 v1  }
0x49: {  	v0 =	vld [tilespmem:s1+$0x7000]  }
0x4a: {  	v4 =	vsub.f32 v4, v5  }
0x4b: {  	v1 =	vld [tilespmem:s1+$0x8C00];
	v5 =	vpop (erf)  }
0x4c: {  	s14 =	simm.s32 $0x100;
	v4 =	vmul.f32 $1.442695020e+00, v4;
	[tilespmem:s5+$0xA800] =	vst v5;
	v3 =	vmul.f32 v5, v3  }
.LBB2_3:
0x4d: {  	s15 =	sshra.s32 s14, $0x2;
	v5 =	vld [tilespmem:s31+$0x5400];
	p0 =	sne.s32 s14, $0x6FC0  }
.Ltmp0:
0x4e: {  	s14 =	sadd.s32 $0x40, s14;
	v7 =	vmul.f32 v2, v0;
	v0 =	vld [tilespmem:s15+$0x7000];
	(erf) = vpow2.f32 v4;
	[tilespmem:s5+$0xC400] =	vst v3;
	(pc) =	sbr.rel @p0 .LBB2_3-.Ltmp0, $4  }
0x4f: {  	s5 =	smov.u32 s31;
	s31 =	smov.u32 s0;
	s0 =	smov.u32 s1;
	v2 =	vld [tilespmem:s15+$0x3800]  }
0x50: {  	s1 =	smov.u32 s15;
	v3 =	vsub.f32 v7, v1  }
0x51: {  	v1 =	vld [tilespmem:s1+$0x8C00];
	v6 =	vpop (erf)  }
0x52: {  	v4 =	vmul.f32 $1.442695020e+00, v3;
	[tilespmem:s5+$0xA800] =	vst v6;
	v3 =	vmul.f32 v6, v5  }
0x53: {  	_ = 	snop  }
0x54: {  	v0 =	vmul.f32 v2, v0;
	(erf) = vpow2.f32 v4;
	_ =	sdelay $0x1  }
0x55: {  	v56 =	vld [tilespmem:s31+$0x5400];
	v0 =	vsub.f32 v0, v1;
	_ =	sdelay $0x1  }
0x56: {  	v0 =	vmul.f32 $1.442695020e+00, v0;
	_ =	sdelay $0x1  }
0x57: {  	v57 =	vpop (erf);
	(erf) = vpow2.f32 v0  }
0x58: {  	[tilespmem:s5+$0xC400] =	vst v3;
	v58 =	vmul.f32 v57, v56  }
0x59: {  	[tilespmem:s31+$0xA800] =	vst v57  }
0x5a: {  	v59 =	vld [tilespmem:s0+$0x5400];
	[tilespmem:s31+$0xC400] =	vst v58;
	v60 =	vpop (erf)  }
0x5b: {  	[tilespmem:s0+$0xA800] =	vst v60  }
0x5c: {  	v61 =	vld [tilespmem:s1+$0x5400];
	_ =	sdelay $0x2  }
0x5d: {  	v0 =	vmul.f32 v60, v59  }
0x5e: {  	v62 =	vpop (erf)  }
0x5f: {  	[tilespmem:s0+$0xC400] =	vst v0;
	v63 =	vmul.f32 v62, v61  }
0x60: {  	[tilespmem:s1+$0xA800] =	vst v62  }
0x61: {  	[tilespmem:s1+$0xC400] =	vst v63  }
0x62: {  	[spmem:s2] =	stream.indirect.scatter.add.f32 [tilespmem:s25], [sflag:$0x1], $0x1, s20, s20, $0xb8;
	[tilespmem:$0x11100] =	vst v63  }
0x63: {  	s30 =	sadd.s32 $0x1, s30;
	_ =	swait.ge [sflag:s18], $0x1C00  }
0x64: {  	p0 =	sne.s32 s30, $0xE;
	[sflag:s18] =	ssyncset.done $0x0  }
.Ltmp1:
0x65: {  	[sflag:s18] =	ssyncadd.s32 $0xFFFFE400;
	(pc) =	sbr.rel @p0 .LBB2_2-.Ltmp1, $4  }
0x66: {  	[spmem:s3] =	stream.indirect.scatter.add.f32 [tilespmem:s26], [sflag:$0x1], $0x1, s20, s20, $0xb8;
	[tilespmem:$0x11100] =	vst v63  }
0x67: {  	_ =	swait.ge [sflag:s18], $0x1C00  }
0x68: {  	[sflag:s18] =	ssyncset.done $0x0  }
0x69: {  	[sflag:s18] =	ssyncadd.s32 $0xFFFFE400  }
0x6a: {  	[bflag:$0x0] =	sbarrier.arrive $0xFFFF  }
0x6b: {  	s0 =	rddreg [dreg:$0x5]  }
0x6c: {  	[hbm:s0@s28], [sflag:s12] =	dma.strided [spmem:s17@s29], $0x310, s18, $0x10   }
0x6d: {  	s4 =	sadd.s32 $0x1, s4;
	_ =	swait.ge [sflag:s18], $0x310  }
0x6e: {  	p0 =	sne.s32 s4, s16;
	[sflag:s18] =	ssyncset.done $0x0  }
.Ltmp2:
0x6f: {  	s31 =	rddreg [dreg:$0x6];
	[sflag:s18] =	ssyncadd.s32 $0xFFFFFCF0;
	(pc) =	sbr.rel @p0 .LBB2_1-.Ltmp2, $4  }
0x70: {  	[hbm:s31@s28], [sflag:s12] =	dma.strided [spmem:s19@s29], $0x310, s18, $0x10   }
0x71: {  	_ =	swait.ge [sflag:s18], $0x310  }
0x72: {  	[sflag:s18] =	ssyncset.done $0x0  }
0x73: {  	[sflag:s18] =	ssyncadd.s32 $0xFFFFFCF0  }
0x74: {  	_ =	sfence.sel $0x180000  }
0x75: {  	[bflag:$0x0] =	sbarrier.arrive $0xFFFF  }
0x76: {  	_ =	strace $0x9000004A  }
0x77: {  	s0 =	stileid.u32;
	[bflag:$0x2] =	sbarrier.arrive $0xFFFF  }
0x78: {  	p0 =	sne.s32 s0, $0x0;
	s0 =	rddreg [dreg:$0x4]  }
0x79: {  	s0 =	sadd.s32 @!p0 $0x100000, s0  }
0x7a: {  	[sflag:s0] =	ssyncadd.tile.s32 @!p0 $0x1;
	_ =	shalt  }
.Lfunc_end2:
_tile_overlayer_lowered:
.L_overlay_start_2:
0x7b: {  	(tag) =	ssettag $0x2  }
0x7c: {  	s0 =	rddreg [dreg:$0x0];
	s2 =	stileid.u32  }
0x7d: {  	s1 =	rddreg [dreg:$0x1];
	p0 =	sne.s32 s2, $0x0  }
0x7e: {  	s3 =	rddreg [dreg:$0x2];
	[bflag:$0x3] =	sbarrier.arrive $0xFFFF;
	s2 =	simm.s32 @!p0 $0x1C01  }
0x7f: {  	[timem:s3], [sflag:s2] =	dma.local @!p0 [hbm:s0], s1  }
0x80: {  	s0 =	simm.s32 @!p0 $0x1  }
0x81: {  	_ =	swait.ge @!p0 [sflag:s0], s1  }
0x82: {  	s1 =	ssub.s32 @!p0 $0x0, s1;
	[sflag:s0] =	ssyncset.done @!p0 $0x0  }
0x83: {  	[sflag:s0] =	ssyncadd.s32 @!p0 s1  }
0x84: {  	[bflag:$0x3] =	sbarrier.arrive $0xFFFF  }
0x85: {  	_ =	shalt  }

// kernel: kernel.9.cloned.1.call-start
scs
__scs_entry_jumppad:
0x0: {  	(pc) =	sbr.rel $0x88, $3  }
0x1: {  	(tag) =	ssettag $0x0;
	lr =	simm.s32 $0x1  }
0x2: {  	[smem:$0x3F91] =	sst lr;
	_ =	strace $0xD0000000  }
0x3: {  	_ = 	snop  }
0x4: {  	_ = 	snop  }
0x5: {  	_ = 	snop  }
0x6: {  	_ = 	snop  }
0x7: {  	_ = 	snop  }
__scs_overlays_trampoline_lowered:
0x8: {  	[smem:$0x3FA0] =	sst s0  }
0x9: {  	[smem:$0x3FA1] =	sst s1  }
0xa: {  	[smem:$0x3FA2] =	sst s2  }
0xb: {  	[smem:$0x3FA3] =	sst s3  }
0xc: {  	[smem:$0x3FA4] =	sst s4  }
0xd: {  	[smem:$0x3FA5] =	sst s5  }
0xe: {  	[smem:$0x3FA6] =	sst s6  }
0xf: {  	[smem:$0x3FA7] =	sst s7  }
0x10: {  	[smem:$0x3FA8] =	sst s8  }
0x11: {  	[smem:$0x3FA9] =	sst s9;
	s0 =	simm.s32 @!p0 $0x0  }
0x12: {  	s1 =	sld [smem:$0x3F8F];
	s0 =	simm.s32 @p0 $0x1  }
0x13: {  	[smem:$0x3FAA] =	sst s0;
	s0 =	simm.s32 @!p1 $0x0  }
0x14: {  	s2 =	sld [smem:$0x3F8E];
	s0 =	simm.s32 @p1 $0x1  }
0x15: {  	[smem:$0x3FAB] =	sst s0;
	s0 =	simm.s32 @!p2 $0x0  }
0x16: {  	s3 =	sld [smem:$0x3FDB];
	s0 =	simm.s32 @p2 $0x1  }
0x17: {  	s4 =	simm.s32 $0x1BF5;
	[smem:$0x3FAD] =	sst s0  }
0x18: {  	s0 =	sld [smem:$0x3F90];
	_ =	swait.ge [sflag:s4], $0x0  }
0x19: {  	s7 =	sld [smem:$0x3F91]  }
0x1a: {  	s8 =	sadd.s32 $0xFFFFE003, lr  }
0x1b: {  	s9 =	sadd.s32 $0xFFFFFEF7, lr;
	s5 =	simm.s32 $0xFFFFFFFF;
	p2 =	slt.u32 s8, $0xFFFFF086  }
0x1c: {  	p1 =	slt.u32 s9, $0xF7A;
	s5 =	simm.s32 @!p2 $0x0  }
0x1d: {  	s5 =	simm.s32 @p1 $0x1;
	p0 =	seq.s32 s7, s2  }
0x1e: {  	s7 =	smul.u32 @!p0 $0xF7A, s2;
	p2 =	seq.s32 @!p0 s5, $0x0  }
0x1f: {  	s9 =	smul.u32 $0xF7A, s1;
	s8 =	simm.s32 @!p0 $0x1BF5;
	p2 =	por !p2, p0  }
0x20: {  	[sflag:s8] =	ssyncset.s32 @!p0 $0xFFFFF086;
	s6 =	sadd.s32 @!p0 s3, s7;
	s7 =	simm.s32 @!p0 $0x108  }
0x21: {  	s3 =	sadd.s32 s3, s9;
	s6 =	sadd.s32 @!p0 $0x88, s6;
	s7 =	simm.s32 @p2 $0x1082  }
0x22: {  	[simem:s7], [sflag:s8] =	dma.local @!p0 [hbm:s6], $0xF7A  }
0x23: {  	s9 =	sor.u32 $0xD0000000, s2;
	s6 =	simm.s32 $0x108;
	_ =	swait.ge @!p0 [sflag:s8], $0x0  }
0x24: {  	s3 =	sadd.s32 $0x88, s3;
	s6 =	simm.s32 @!p1 $0x1082;
	[sflag:s4] =	ssyncset.s32 $0xFFFFF086  }
0x25: {  	[simem:s6], [sflag:s4] =	dma.local [hbm:s3], $0xF7A  }
0x26: {  	[smem:$0x3F91] =	sst s1;
	(tag) =	ssettag s2;
	_ =	strace s9  }
0x27: {  	s1 =	sld [smem:$0x3FA1]  }
0x28: {  	s2 =	sld [smem:$0x3FA2]  }
0x29: {  	s4 =	sld [smem:$0x3FA4]  }
0x2a: {  	p0 =	seq.s32 s5, $0x0;
	s5 =	sld [smem:$0x3FA5]  }
0x2b: {  	s6 =	sld [smem:$0x3FA6]  }
0x2c: {  	s7 =	sld [smem:$0x3FA7]  }
0x2d: {  	s3 =	simm.s32 $0x108;
	s8 =	sld [smem:$0x3FA8]  }
0x2e: {  	s3 =	simm.s32 @!p0 $0x1082;
	s9 =	sld [smem:$0x3FA9]  }
0x2f: {  	lr =	sadd.s32 s0, s3;
	s0 =	sld [smem:$0x3FA0]  }
0x30: {  	s3 =	sld [smem:$0x3FA3]  }
0x31: {  	[smem:$0x3FAC] =	sst s10  }
0x32: {  	s10 =	sld [smem:$0x3FAA];
	_ =	sdelay $0x3  }
0x33: {  	p0 =	seq.s32 s10, $0x1;
	s10 =	sld [smem:$0x3FAC];
	_ =	sdelay $0x3  }
0x34: {  	[smem:$0x3FAC] =	sst s10  }
0x35: {  	s10 =	sld [smem:$0x3FAB];
	_ =	sdelay $0x3  }
0x36: {  	p1 =	seq.s32 s10, $0x1;
	s10 =	sld [smem:$0x3FAC];
	_ =	sdelay $0x3  }
0x37: {  	[smem:$0x3FAC] =	sst s10  }
0x38: {  	s10 =	sld [smem:$0x3FAD]  }
0x39: {  	_ = 	snop;
	(pc) =	sbr.ind lr, $3  }
0x3a: {  	_ = 	snop  }
0x3b: {  	_ = 	snop  }
0x3c: {  	p2 =	seq.s32 s10, $0x1;
	s10 =	sld [smem:$0x3FAC]  }
0x3d: {  	_ =	shalt  }
0x3e: {  	_ =	shalt  }
0x3f: {  	_ =	shalt  }
0x40: {  	_ =	shalt  }
0x41: {  	_ =	shalt  }
0x42: {  	_ =	shalt  }
0x43: {  	_ =	shalt  }
0x44: {  	_ =	shalt  }
0x45: {  	_ =	shalt  }
0x46: {  	_ =	shalt  }
0x47: {  	_ =	shalt  }
0x48: {  	_ =	shalt  }
0x49: {  	_ =	shalt  }
0x4a: {  	_ =	shalt  }
0x4b: {  	_ =	shalt  }
0x4c: {  	_ =	shalt  }
0x4d: {  	_ =	shalt  }
0x4e: {  	_ =	shalt  }
0x4f: {  	_ =	shalt  }
0x50: {  	_ =	shalt  }
0x51: {  	_ =	shalt  }
0x52: {  	_ =	shalt  }
0x53: {  	_ =	shalt  }
0x54: {  	_ =	shalt  }
0x55: {  	_ =	shalt  }
0x56: {  	_ =	shalt  }
0x57: {  	_ =	shalt  }
0x58: {  	_ =	shalt  }
0x59: {  	_ =	shalt  }
0x5a: {  	_ =	shalt  }
0x5b: {  	_ =	shalt  }
0x5c: {  	_ =	shalt  }
0x5d: {  	_ =	shalt  }
0x5e: {  	_ =	shalt  }
0x5f: {  	_ =	shalt  }
0x60: {  	_ =	shalt  }
0x61: {  	_ =	shalt  }
0x62: {  	_ =	shalt  }
0x63: {  	_ =	shalt  }
0x64: {  	_ =	shalt  }
0x65: {  	_ =	shalt  }
0x66: {  	_ =	shalt  }
0x67: {  	_ =	shalt  }
0x68: {  	_ =	shalt  }
0x69: {  	_ =	shalt  }
0x6a: {  	_ =	shalt  }
0x6b: {  	_ =	shalt  }
0x6c: {  	_ =	shalt  }
0x6d: {  	_ =	shalt  }
0x6e: {  	_ =	shalt  }
0x6f: {  	_ =	shalt  }
0x70: {  	_ =	shalt  }
0x71: {  	_ =	shalt  }
0x72: {  	_ =	shalt  }
0x73: {  	_ =	shalt  }
0x74: {  	_ =	shalt  }
0x75: {  	_ =	shalt  }
0x76: {  	_ =	shalt  }
0x77: {  	_ =	shalt  }
0x78: {  	_ =	shalt  }
0x79: {  	_ =	shalt  }
0x7a: {  	_ =	shalt  }
0x7b: {  	_ =	shalt  }
0x7c: {  	_ =	shalt  }
0x7d: {  	_ =	shalt  }
0x7e: {  	_ =	shalt  }
0x7f: {  	_ =	shalt  }
0x80: {  	_ =	shalt  }
0x81: {  	_ =	shalt  }
0x82: {  	_ =	shalt  }
0x83: {  	_ =	shalt  }
0x84: {  	_ =	shalt  }
0x85: {  	_ =	shalt  }
0x86: {  	_ =	shalt  }
0x87: {  	_ =	shalt  }
.Lfunc_end0:
.L_simem_size_0:
called_computation_lowered:
.L_overlay_start_0:
0x88: {  	s2 =	sld [smem:$0x3FD9]  }
0x89: {  	s3 =	sld [smem:$0x3FFE];
	_ =	sdelay $0x1  }
0x8a: {  	s1 =	srdreg.scid  }
0x8b: {  	s0 =	sand.u32 $0x1, s1  }
0x8c: {  	s17 =	sshll.u32 s0, $0xA;
	s2 =	sadd.s32 s3, s2  }
0x8d: {  	s2 =	sadd.s32 s2, s17  }
0x8e: {  	[smem:$0x3FB8] =	sst s2  }
0x8f: {  	_ = 	snop  }
0x90: {  	s2 =	sld [smem:$0x3FD0];
	(tm) =	ssettm $0x1  }
0x91: {  	s18 =	sld [smem:$0x3FFB];
	_ =	sdelay $0x3  }
0x92: {  	_ =	strace s18  }
0x93: {  	s3 =	sld [smem:$0x3FFC];
	_ =	sdelay $0x3  }
0x94: {  	_ =	strace s3  }
0x95: {  	s3 =	sld [smem:$0x3FFD];
	_ =	sdelay $0x3  }
0x96: {  	_ =	strace s3  }
0x97: {  	_ =	strace $0x8FFFFFFF  }
0x98: {  	s19 =	sld [smem:$0x3FDB];
	_ =	sdelay $0x1  }
0x99: {  	s4 =	simm.s32 $_scs_section_size  }
0x9a: {  	s5 =	simm.s32 $_size__tile_overlayer_lowered;
	s6 =	simm.s32 $_tile_overlayer_lowered  }
0x9b: {  	s22 =	simm.s32 $0x1BFF;
	s21 =	sshll.u32 s6, $0x1;
	s3 =	sadd.s32 s4, s19  }
0x9c: {  	s7 =	simm.s32 $0x0;
	s20 =	sshll.u32 s5, $0x1;
	s5 =	sadd.s32 s21, s3  }
0x9d: {  	[timem:s7], [sflag:s22] =	dma.local [hbm:s5], s20  }
0x9e: {  	_ =	swait.ge [sflag:s22], s20  }
0x9f: {  	s4 =	ssub.s32 $0x0, s20;
	[sflag:s22] =	ssyncset.done $0x0  }
0xa0: {  	[sflag:s22] =	ssyncadd.s32 s4;
	_ =	sdelay $0x1  }
0xa1: {  	s23 =	simm.s32 $0x1B8B  }
0xa2: {  	_ =	swait.ge [sflag:s23], $0x1  }
0xa3: {  	[sflag:s23] =	ssyncset.done $0x0  }
0xa4: {  	s25 =	simm.s32 $0x1B8E;
	s24 =	sld [smem:$0x3FFE];
	[sflag:s23] =	ssyncadd.s32 $0xFFFFFFFF  }
0xa5: {  	s26 =	simm.s32 $execute0_lowered;
	[smem:$0x3FD2] =	sst s25  }
0xa6: {  	s5 =	sshll.u32 s26, $0x1;
	_ =	strace $0x80000046;
	[dreg:$0x1] =	wrdreg $0xFFFFFFFF  }
0xa7: {  	s28 =	simm.s32 $_size_execute0_lowered;
	s3 =	sadd.s32 s3, s5;
	[dreg:$0x0] =	wrdreg $0x0  }
0xa8: {  	s5 =	sshll.u32 s28, $0x1;
	[dreg:$0x2] =	wrdreg s3  }
0xa9: {  	[dreg:$0x3] =	wrdreg s5  }
0xaa: {  	[dreg:$0x4] =	wrdreg $0xC0  }
0xab: {  	_ =	task [dreg:s7], $0x5FFFF  }
0xac: {  	[dreg:$0x1] =	wrdreg $0xFFFFFFFF  }
0xad: {  	[dreg:$0x0] =	wrdreg $0x60  }
0xae: {  	[dreg:$0x2] =	wrdreg s24  }
0xaf: {  	[dreg:$0x3] =	wrdreg s2  }
0xb0: {  	[dreg:$0x4] =	wrdreg $0x8C800  }
0xb1: {  	[dreg:$0x5] =	wrdreg $0xA5000  }
0xb2: {  	[dreg:$0x6] =	wrdreg $0x9  }
0xb3: {  	_ =	task.clear_ibuf [dreg:s7], $0x7FFFF;
	_ =	strace $0x90000046  }
0xb4: {  	s29 =	simm.s32 $0x9;
	_ =	strace $0x80000048  }
0xb5: {  	_ =	swait.ge [sflag:s29], $0x1  }
0xb6: {  	[sflag:s29] =	ssyncadd.s32 $0xFFFFFFFF  }
0xb7: {  	_ =	strace $0x90000048  }
0xb8: {  	_ =	sfence  }
0xb9: {  	s30 =	sld [smem:$0x0];
	_ =	sdelay $0x2  }
0xba: {  	s31 =	sshll.u32 s1, $0xD;
	s1 =	sshrl.u32 s1, $0x2  }
0xbb: {  	s3 =	sand.u32 $0x4000, s31;
	s1 =	sadd.s32 s1, s30  }
0xbc: {  	s0 =	sor.u32 s3, s0;
	s1 =	sshll.u32 s1, $0x11  }
0xbd: {  	s0 =	sor.u32 s1, s0  }
0xbe: {  	s0 =	sadd.s32 $0x8F2B, s0  }
0xbf: {  	[sflag:s0] =	ssyncadd.remote.s32 $0x1  }
0xc0: {  	_ =	sfence.sel $0xFFFF  }
0xc1: {  	[dreg:$0x0] =	wrdreg $0xFFFFFFFF;
	(pc) =	sbr.abs _section_cstart, $3  }
0xc2: {  	[dreg:$0x1] =	wrdreg $0xFFFFFFFF  }
0xc3: {  	_ =	task.clear_ibuf [dreg:s7], $0x2FFFF;
	_ =	strace $0x9FFFFFFF  }
0xc4: {  	(tm) =	ssettm $0x7FFFFFFF  }
0xc5: {  	_ =	shalt  }
tec
execute0_lowered:
.L_overlay_start_1:
0x0: {  	(tag) =	ssettag $0x1  }
0x1: {  	s1 =	rddreg [dreg:$0x0]  }
0x2: {  	s2 =	rddreg [dreg:$0x1]  }
0x3: {  	s3 =	rddreg [dreg:$0x2]  }
0x4: {  	s4 =	rddreg [dreg:$0x3]  }
0x5: {  	s5 =	srdreg.scid;
	s6 =	simm.s32 $0x0;
	s19 =	simm.s32 $0x1C00  }
0x6: {  	s20 =	simm.s32 $0x3800;
	s21 =	simm.s32 $0x5400;
	s22 =	simm.s32 $0x7000  }
0x7: {  	s23 =	simm.s32 $0x20;
	s24 =	simm.s32 $0x10;
	s25 =	simm.s32 $0x0  }
0x8: {  	s10 =	sand.u32 $0x1, s5;
	s5 =	stileid.u32;
	[smem:$0x7FF] =	sst s6  }
0x9: {  	s7 =	sadd.s32 $0x1000, s1;
	s9 =	sadd.s32 $0x558E00, s1;
	s11 =	smul.u32 $0x31000, s10  }
0xa: {  	s8 =	sadd.s32 $0x63000, s1;
	s12 =	smul.u32 $0x3100, s5;
	_ =	strace $0x80000047  }
0xb: {  	s30 =	ssub.s32 $0x2, s10;
	s13 =	smul.u32 $0x1880, s5;
	s10 =	sshll.u32 s10, $0x4  }
0xc: {  	s16 =	sshll.u32 s5, $0x6;
	s31 =	sshrl.u32 s30, $0x1;
	s10 =	sor.u32 s5, s10  }
0xd: {  	s16 =	sor.u32 $0x1C01, s16;
	s11 =	sadd.s32 s12, s11;
	s15 =	ssub.s32 s30, s31  }
0xe: {  	s17 =	sadd.s32 s13, s3;
	s18 =	sadd.s32 s13, s4;
	s10 =	smul.u32 $0x18800, s10  }
0xf: {  	s11 =	sshrl.u32 s11, $0x3;
	s13 =	smax.u32 s15, $0x1;
	s15 =	simm.s32 $0x1  }
0x10: {  	s17 =	sshrl.u32 s17, $0x3;
	s18 =	sshrl.u32 s18, $0x3;
	s14 =	sadd.s32 s11, s1  }
0x11: {  	s11 =	sadd.s32 $0xC5000, s14;
	s12 =	sadd.s32 $0xC5010, s14;
	s14 =	simm.s32 $0x8C00  }
.LBB2_1:
0x12: {  	[tilespmem:s14], [sflag:$0x1] =	stream.linear.gather [hbm4b:s1+s6], $0x80, $0x38;
	[tilespmem:$0xBD80] =	vst v63  }
0x13: {  	_ =	swait.ge [sflag:s15], $0x80  }
0x14: {  	[sflag:s15] =	ssyncset.done $0x0  }
0x15: {  	[sflag:s15] =	ssyncadd.s32 $0xFFFFFF80  }
0x16: {  	[spmem:s17], [sflag:s16] =	dma.local [hbm:s2], $0x310  }
0x17: {  	_ =	swait.ge [sflag:s15], $0x310  }
0x18: {  	[sflag:s15] =	ssyncset.done $0x0  }
0x19: {  	[sflag:s15] =	ssyncadd.s32 $0xFFFFFCF0  }
0x1a: {  	[spmem:s18], [sflag:s16] =	dma.local [hbm:s2], $0x310  }
0x1b: {  	_ =	swait.ge [sflag:s15], $0x310  }
0x1c: {  	[sflag:s15] =	ssyncset.done $0x0  }
0x1d: {  	[sflag:s15] =	ssyncadd.s32 $0xFFFFFCF0  }
0x1e: {  	[bflag:$0x0] =	sbarrier.arrive $0xFFFF  }
0x1f: {  	v0 =	vld [tilespmem:$0x8C00];
	_ =	sdelay $0x2  }
0x20: {  	s26 =	simm.s32 $0x0  }
.LBB2_2:
0x21: {  	s28 =	smul.u32 $0x1C00, s26;
	_ =	sdelay $0x1  }
0x22: {  	s28 =	sadd.s32 s10, s28  }
0x23: {  	s28 =	sshrl.u32 s28, $0x3  }
0x24: {  	s30 =	simm.s32 $0x0;
	s29 =	sadd.s32 s7, s28  }
0x25: {  	[tilespmem:s30], [sflag:$0x1] =	stream.linear.gather [hbm4b:s29+s30], $0x1C00, $0x38;
	[tilespmem:$0xBD80] =	vst v63  }
0x26: {  	_ =	swait.ge [sflag:s15], $0x1C00  }
0x27: {  	[sflag:s15] =	ssyncset.done $0x0  }
0x28: {  	s28 =	sadd.s32 s8, s28;
	[sflag:s15] =	ssyncadd.s32 $0xFFFFE400  }
0x29: {  	[tilespmem:s19], [sflag:$0x1] =	stream.linear.gather [hbm4b:s28+s30], $0x1C00, $0x38;
	[tilespmem:$0xBD80] =	vst v63  }
0x2a: {  	_ =	swait.ge [sflag:s15], $0x1C00  }
0x2b: {  	[sflag:s15] =	ssyncset.done $0x0  }
0x2c: {  	[sflag:s15] =	ssyncadd.s32 $0xFFFFE400  }
0x2d: {  	[tilespmem:s20], [sflag:$0x1] =	stream.indirect.gather [hbm4b:s9+s19], $0x1, s30, s19, $0xb8;
	[tilespmem:$0xBD80] =	vst v63  }
0x2e: {  	_ =	swait.ge [sflag:s15], $0x1C00  }
0x2f: {  	[sflag:s15] =	ssyncset.done $0x0  }
0x30: {  	s29 =	simm.s32 $0x0;
	[sflag:s15] =	ssyncadd.s32 $0xFFFFE400  }
0x31: {  	v1 =	vld [tilespmem:s29+$0x3800];
	_ =	sdelay $0x1  }
0x32: {  	s28 =	simm.s32 $0x10  }
0x33: {  	v2 =	vld [tilespmem:s28+$0x3800];
	_ =	sdelay $0x1  }
0x34: {  	v1 =	vmul.f32 v1, v0;
	_ =	sdelay $0x1  }
0x35: {  	v3 =	vsub.f32 $0.0e+00, v1;
	v1 =	vmul.f32 $1.442695020e+00, v1  }
0x36: {  	v2 =	vmul.f32 v2, v0  }
0x37: {  	v3 =	vmul.f32 $1.442695020e+00, v3;
	(erf) = vpow2.f32 v1  }
0x38: {  	v4 =	vmul.f32 $1.442695020e+00, v2  }
0x39: {  	s30 =	simm.s32 $0x20;
	(erf) = vpow2.f32 v3  }
0x3a: {  	v1 =	vld [tilespmem:s30+$0x3800];
	(erf) = vpow2.f32 v4  }
0x3b: {  	v2 =	vsub.f32 $0.0e+00, v2;
	_ =	sdelay $0x1  }
0x3c: {  	s31 =	simm.s32 $0xC0;
	v2 =	vmul.f32 $1.442695020e+00, v2  }
.LBB2_3:
0x3d: {  	p0 =	sne.s32 s31, $0x6FC0  }
.Ltmp0:
0x3e: {  	s0 =	sshra.s32 s31, $0x2;
	s31 =	sadd.s32 $0x40, s31;
	v3 =	vmul.f32 v1, v0;
	(erf) = vpow2.f32 v2;
	(pc) =	sbr.rel @p0 .LBB2_3-.Ltmp0, $4  }
0x3f: {  	v1 =	vld [tilespmem:s0+$0x3800];
	v2 =	vpop (erf)  }
0x40: {  	v4 =	vmul.f32 $1.442695020e+00, v3;
	v3 =	vsub.f32 $0.0e+00, v3;
	[tilespmem:s29+$0x5400] =	vst v2  }
0x41: {  	v5 =	vpop (erf)  }
0x42: {  	v2 =	vmul.f32 $1.442695020e+00, v3;
	(erf) = vpow2.f32 v4;
	[tilespmem:s29+$0x7000] =	vst v5;
	s29 =	smov.u32 s28;
	s28 =	smov.u32 s30;
	s30 =	smov.u32 s0  }
0x43: {  	_ = 	snop  }
0x44: {  	v1 =	vmul.f32 v1, v0;
	_ =	sdelay $0x1  }
0x45: {  	v3 =	vsub.f32 $0.0e+00, v1  }
0x46: {  	v1 =	vmul.f32 $1.442695020e+00, v1  }
0x47: {  	(erf) = vpow2.f32 v2;
	v2 =	vmul.f32 $1.442695020e+00, v3  }
0x48: {  	(erf) = vpow2.f32 v1  }
0x49: {  	(erf) = vpow2.f32 v2;
	_ =	sdelay $0x3  }
0x4a: {  	v1 =	vpop (erf)  }
0x4b: {  	[tilespmem:s29+$0x5400] =	vst v1;
	v2 =	vpop (erf)  }
0x4c: {  	[tilespmem:s29+$0x7000] =	vst v2;
	v1 =	vpop (erf)  }
0x4d: {  	[tilespmem:s28+$0x5400] =	vst v1;
	v1 =	vpop (erf)  }
0x4e: {  	[tilespmem:s28+$0x7000] =	vst v1;
	v1 =	vpop (erf)  }
0x4f: {  	[tilespmem:s30+$0x5400] =	vst v1;
	v1 =	vpop (erf)  }
0x50: {  	[tilespmem:s30+$0x7000] =	vst v1  }
0x51: {  	[spmem:s3] =	stream.indirect.scatter.add.f32 [tilespmem:s21], [sflag:$0x1], $0x1, s19, s19, $0xb8;
	[tilespmem:$0xBD80] =	vst v63  }
0x52: {  	s26 =	sadd.s32 $0x1, s26;
	_ =	swait.ge [sflag:s15], $0x1C00  }
0x53: {  	p0 =	sne.s32 s26, $0xE;
	[sflag:s15] =	ssyncset.done $0x0  }
.Ltmp1:
0x54: {  	[sflag:s15] =	ssyncadd.s32 $0xFFFFE400;
	(pc) =	sbr.rel @p0 .LBB2_2-.Ltmp1, $4  }
0x55: {  	[spmem:s4] =	stream.indirect.scatter.add.f32 [tilespmem:s22], [sflag:$0x1], $0x1, s19, s19, $0xb8;
	[tilespmem:$0xBD80] =	vst v63  }
0x56: {  	_ =	swait.ge [sflag:s15], $0x1C00  }
0x57: {  	[sflag:s15] =	ssyncset.done $0x0  }
0x58: {  	[sflag:s15] =	ssyncadd.s32 $0xFFFFE400  }
0x59: {  	[bflag:$0x0] =	sbarrier.arrive $0xFFFF  }
0x5a: {  	[hbm:s11@s23], [sflag:s16] =	dma.strided [spmem:s17@s24], $0x310, s15, $0x10   }
0x5b: {  	s25 =	sadd.s32 $0x1, s25;
	_ =	swait.ge [sflag:s15], $0x310  }
0x5c: {  	p0 =	sne.s32 s25, s13;
	[sflag:s15] =	ssyncset.done $0x0  }
.Ltmp2:
0x5d: {  	[sflag:s15] =	ssyncadd.s32 $0xFFFFFCF0;
	(pc) =	sbr.rel @p0 .LBB2_1-.Ltmp2, $4  }
0x5e: {  	[hbm:s12@s23], [sflag:s16] =	dma.strided [spmem:s18@s24], $0x310, s15, $0x10   }
0x5f: {  	_ =	swait.ge [sflag:s15], $0x310  }
0x60: {  	[sflag:s15] =	ssyncset.done $0x0  }
0x61: {  	[sflag:s15] =	ssyncadd.s32 $0xFFFFFCF0  }
0x62: {  	_ =	sfence.sel $0x180000  }
0x63: {  	[bflag:$0x0] =	sbarrier.arrive $0xFFFF  }
0x64: {  	_ =	strace $0x90000047  }
0x65: {  	[bflag:$0x2] =	sbarrier.arrive $0xFFFF  }
0x66: {  	p0 =	sne.s32 s5, $0x0;
	s0 =	rddreg [dreg:$0x4]  }
0x67: {  	s0 =	sadd.s32 @!p0 $0x100000, s0  }
0x68: {  	[sflag:s0] =	ssyncadd.tile.s32 @!p0 $0x1;
	_ =	shalt  }
.Lfunc_end2:
_tile_overlayer_lowered:
.L_overlay_start_2:
0x69: {  	(tag) =	ssettag $0x2  }
0x6a: {  	s0 =	rddreg [dreg:$0x0];
	s2 =	stileid.u32  }
0x6b: {  	s1 =	rddreg [dreg:$0x1];
	p0 =	sne.s32 s2, $0x0  }
0x6c: {  	s3 =	rddreg [dreg:$0x2];
	[bflag:$0x3] =	sbarrier.arrive $0xFFFF;
	s2 =	simm.s32 @!p0 $0x1C01  }
0x6d: {  	[timem:s3], [sflag:s2] =	dma.local @!p0 [hbm:s0], s1  }
0x6e: {  	s0 =	simm.s32 @!p0 $0x1  }
0x6f: {  	_ =	swait.ge @!p0 [sflag:s0], s1  }
0x70: {  	s1 =	ssub.s32 @!p0 $0x0, s1;
	[sflag:s0] =	ssyncset.done @!p0 $0x0  }
0x71: {  	[sflag:s0] =	ssyncadd.s32 @!p0 s1  }
0x72: {  	[bflag:$0x3] =	sbarrier.arrive $0xFFFF  }
0x73: {  	_ =	shalt  }

</sc_bundles>
